<compile_context>
chip_gen: v7x
topology: tpu7x:2x2x1
jax: 0.10.2.dev20260603
libtpu: 0.0.44.dev20260713+nightly
codegen_flags: <defaults>
</compile_context>

<pallas_src>
import jax
import jax.numpy as jnp
from jax import lax
from jax.experimental import pallas as pl
from jax.experimental.pallas import tpu as pltpu
from jax.experimental.pallas import tpu_sc as plsc

B = 1024
L = 50
D = 64
NR = 5
NW = 32
NCHUNK = 1
CB = B // NCHUNK
BIG = CB * L
BPW = BIG // NW
SPW = CB // NW
BB = 128
G = CB // BB

_f32 = jnp.float32


def _sc_gather(hist_v, soc, hist_u, nodes_u, nodes_v, embed_u, embed_i):
  mesh = plsc.VectorSubcoreMesh(core_axis_name="c", subcore_axis_name="s")
  out_type = (
      jax.ShapeDtypeStruct((BIG, D), _f32),
      jax.ShapeDtypeStruct((BIG, D), _f32),
      jax.ShapeDtypeStruct((BIG, D), _f32),
      jax.ShapeDtypeStruct((CB, D), _f32),
      jax.ShapeDtypeStruct((CB, D), _f32),
  )

  def body(hist_v, soc, hist_u, nodes_u, nodes_v, embed_u, embed_i,
           pt_out, un_out, qa_out, piu_out, qj_out,
           idx_v, rows_v, idx_s, rows_s, sem):
    wid = lax.axis_index("s") * 2 + lax.axis_index("c")
    base = wid * BPW
    for idx_hbm, table, out in ((hist_v, embed_u, pt_out),
                                (soc, embed_u, un_out),
                                (hist_u, embed_i, qa_out)):
      pltpu.sync_copy(idx_hbm.at[pl.ds(base, BPW)], idx_v)
      pltpu.async_copy(table.at[idx_v], rows_v, sem).wait()
      pltpu.sync_copy(rows_v, out.at[pl.ds(base, BPW)])
    sbase = wid * SPW
    for idx_hbm, table, out in ((nodes_u, embed_u, piu_out),
                                (nodes_v, embed_i, qj_out)):
      pltpu.sync_copy(idx_hbm.at[pl.ds(sbase, SPW)], idx_s)
      pltpu.async_copy(table.at[idx_s], rows_s, sem).wait()
      pltpu.sync_copy(rows_s, out.at[pl.ds(sbase, SPW)])

  return pl.kernel(
      body,
      out_type=out_type,
      mesh=mesh,
      scratch_types=[
          pltpu.VMEM((BPW,), jnp.int32),
          pltpu.VMEM((BPW, D), _f32),
          pltpu.VMEM((SPW,), jnp.int32),
          pltpu.VMEM((SPW, D), _f32),
          pltpu.SemaphoreType.DMA,
      ],
      compiler_params=pltpu.CompilerParams(use_tc_tiling_on_sc=False),
  )(hist_v, soc, hist_u, nodes_u, nodes_v, embed_u, embed_i)


def _tc_body(pt_ref, qa_ref, un_ref, qj_ref, piu_ref, vr_ref, ur_ref,
             erp2, w1, w1r, b1, w2, b2,
             a1, a1u, b1a, a2, b2a, a3c,
             aS1a, aS1b, aS1bias, aS2w, aS2b, aS3wT,
             um1a, um1b, um1bias, um2w, um2b,
             ur1w, ur1b, ur2w, ur2b,
             vr1w, vr1b, vr2w, vr2b,
             uv1a, uv1b, uv1bias, uv2w, uv2b, uv3wT, uv3b,
             s1, t1, s2, t2, s3, t3, s4, t4,
             out_ref):
  def mm(x, w):
    return lax.dot_general(x, w, (((1,), (0,)), ((), ())),
                           preferred_element_type=_f32)

  relu = lambda x: jnp.maximum(x, 0.0)
  bf = lambda x: x.astype(jnp.bfloat16).astype(_f32)

  def softmax_l(logits):
    m = jnp.max(logits, axis=1, keepdims=True)
    e = jnp.exp(logits - m)
    return e / jnp.sum(e, axis=1, keepdims=True)

  X = jnp.concatenate([pt_ref[...], qa_ref[...]], axis=1)
  U = jnp.concatenate([qj_ref[...], piu_ref[...]], axis=1)
  m16 = lax.broadcasted_iota(jnp.int32, (BB * L, 16), 1)
  idsel = jnp.where(m16 < 8, vr_ref[...], ur_ref[...])
  oh = (idsel == (m16 & 7)).astype(_f32)
  ER = mm(oh, erp2[...])
  H = relu(mm(X, w1[...]) + mm(ER, w1r[...]) + b1[...])
  F = relu(mm(H, w2[...]) + b2[...])
  HA = mm(F, a1[...])
  HU = mm(U, a1u[...]) + b1a[...]
  H3 = relu(HA.reshape(BB, L, 128) + HU[:, None, :])
  H2 = relu(mm(H3.reshape(BB * L, 128), a2[...]) + b2a[...])
  T3 = (bf(H2) * bf(a3c[...])).reshape(BB, L, 128)
  wA = softmax_l(jnp.sum(T3[:, :, :D], axis=2))
  wB = softmax_l(jnp.sum(T3[:, :, D:], axis=2))
  F3 = F.reshape(BB, L, 128)
  zj = jnp.sum(F3[:, :, :D] * wA[:, :, None], axis=1)
  hi_I = jnp.sum(F3[:, :, D:] * wB[:, :, None], axis=1)

  un = un_ref[...]
  piu = piu_ref[...]
  h = mm(un, aS1a[...])
  hu = mm(piu, aS1b[...]) + aS1bias[...]
  h3 = relu(h.reshape(BB, L, D) + hu[:, None, :])
  h2 = relu(mm(h3.reshape(BB * L, D), aS2w[...]) + aS2b[...])
  tS = (bf(h2) * bf(aS3wT[...])).reshape(BB, L, D)
  wS = softmax_l(jnp.sum(tS, axis=2))
  hi_S = jnp.sum(un.reshape(BB, L, D) * wS[:, :, None], axis=1)
  hi = relu(mm(hi_I, um1a[...]) + mm(hi_S, um1b[...]) + um1bias[...])
  hi = relu(mm(hi, um2w[...]) + um2b[...])
  hi = relu((mm(hi, ur1w[...]) + ur1b[...]) * s1[...] + t1[...])
  hi = mm(hi, ur2w[...]) + ur2b[...]
  zj = relu((mm(zj, vr1w[...]) + vr1b[...]) * s2[...] + t2[...])
  zj = relu(mm(zj, vr1w[...]) + vr1b[...])
  zj = mm(zj, vr2w[...]) + vr2b[...]
  x = relu((mm(hi, uv1a[...]) + mm(zj, uv1b[...]) + uv1bias[...]) * s3[...]
           + t3[...])
  x = relu((mm(x, uv2w[...]) + uv2b[...]) * s4[...] + t4[...])
  out_ref[...] = (jnp.sum(x * uv3wT[...], axis=1, keepdims=True) + uv3b[...])


def kernel(nodes_u, nodes_v, history_u, history_ur, history_v, history_vr,
           social_adj, embed_u, embed_i, embed_r,
           gu1_w, gu1_b, gu2_w, gu2_b, ai1_w, ai1_b, ai2_w, ai2_b, ai3_w,
           ai3_b, gv1_w, gv1_b, gv2_w, gv2_b, aI1_w, aI1_b, aI2_w, aI2_b,
           aI3_w, aI3_b, aS1_w, aS1_b, aS2_w, aS2_b, aS3_w, aS3_b, um1_w,
           um1_b, um2_w, um2_b, ur1_w, ur1_b, ur2_w, ur2_b, vr1_w, vr1_b,
           vr2_w, vr2_b, uv1_w, uv1_b, uv2_w, uv2_b, uv3_w, uv3_b,
           bn1_g, bn1_b, bn1_m, bn1_v, bn2_g, bn2_b, bn2_m, bn2_v,
           bn3_g, bn3_b, bn3_m, bn3_v, bn4_g, bn4_b, bn4_m, bn4_v):
  i32 = jnp.int32
  hist_v = history_v.astype(i32).reshape(B * L)
  soc = social_adj.astype(i32).reshape(B * L)
  hist_u = history_u.astype(i32).reshape(B * L)
  nu = nodes_u.astype(i32)
  nv = nodes_v.astype(i32)
  vr_ids = history_vr.astype(i32).reshape(B * L, 1)
  ur_ids = history_ur.astype(i32).reshape(B * L, 1)

  erp = jnp.pad(embed_r, ((0, 8 - NR), (0, 0)))

  def bn_fold(g, b, m, v):
    s = (g * lax.rsqrt(v + 1e-5)).reshape(1, -1)
    t = (b - m * g * lax.rsqrt(v + 1e-5)).reshape(1, -1)
    return s, t

  s1, t1 = bn_fold(bn1_g, bn1_b, bn1_m, bn1_v)
  s2, t2 = bn_fold(bn2_g, bn2_b, bn2_m, bn2_v)
  s3, t3 = bn_fold(bn3_g, bn3_b, bn3_m, bn3_v)
  s4, t4 = bn_fold(bn4_g, bn4_b, bn4_m, bn4_v)

  row = lambda b: b.reshape(1, -1)

  def bdiag(a, b):
    za = jnp.zeros_like(a)
    return jnp.concatenate(
        [jnp.concatenate([a, za], axis=1), jnp.concatenate([za, b], axis=1)],
        axis=0)

  weights = [
      bdiag(erp, erp),
      bdiag(gu1_w[:D], gv1_w[:D]), bdiag(gu1_w[D:], gv1_w[D:]),
      row(jnp.concatenate([gu1_b, gv1_b])),
      bdiag(gu2_w, gv2_w), row(jnp.concatenate([gu2_b, gv2_b])),
      bdiag(ai1_w[:D], aI1_w[:D]), bdiag(ai1_w[D:], aI1_w[D:]),
      row(jnp.concatenate([ai1_b, aI1_b])),
      bdiag(ai2_w, aI2_w), row(jnp.concatenate([ai2_b, aI2_b])),
      jnp.concatenate([ai3_w, aI3_w]).reshape(1, 2 * D),
      aS1_w[:D], aS1_w[D:], row(aS1_b), aS2_w, row(aS2_b), aS3_w.reshape(1, D),
      um1_w[:D], um1_w[D:], row(um1_b), um2_w, row(um2_b),
      ur1_w, row(ur1_b), ur2_w, row(ur2_b),
      vr1_w, row(vr1_b), vr2_w, row(vr2_b),
      uv1_w[:D], uv1_w[D:], row(uv1_b), uv2_w, row(uv2_b),
      uv3_w.reshape(1, 16), uv3_b.reshape(1, 1),
      s1, t1, s2, t2, s3, t3, s4, t4,
  ]

  big_spec = pl.BlockSpec((BB * L, D), lambda g: (g, 0))
  small_spec = pl.BlockSpec((BB, D), lambda g: (g, 0))
  ids_spec = pl.BlockSpec((BB * L, 1), lambda g: (g, 0))
  wspec = lambda a: pl.BlockSpec(a.shape, lambda g, _n=len(a.shape): (0,) * _n)

  in_specs = ([big_spec, big_spec, big_spec, small_spec, small_spec,
               ids_spec, ids_spec]
              + [wspec(w) for w in weights])

  tc_call = pl.pallas_call(
      _tc_body,
      grid=(G,),
      in_specs=in_specs,
      out_specs=pl.BlockSpec((BB, 1), lambda g: (g, 0)),
      out_shape=jax.ShapeDtypeStruct((CB, 1), _f32),
      compiler_params=pltpu.CompilerParams(
          dimension_semantics=("arbitrary",),
          vmem_limit_bytes=100 * 1024 * 1024),
  )

  outs = []
  for c in range(NCHUNK):
    lo, slo = c * BIG, c * CB
    pt, un, qa, piu, qj = _sc_gather(
        lax.slice(hist_v, (lo,), (lo + BIG,)),
        lax.slice(soc, (lo,), (lo + BIG,)),
        lax.slice(hist_u, (lo,), (lo + BIG,)),
        lax.slice(nu, (slo,), (slo + CB,)),
        lax.slice(nv, (slo,), (slo + CB,)),
        embed_u, embed_i)
    vr_c = lax.slice(vr_ids, (lo, 0), (lo + BIG, 1))
    ur_c = lax.slice(ur_ids, (lo, 0), (lo + BIG, 1))
    outs.append(tc_call(pt, qa, un, qj, piu, vr_c, ur_c, *weights))

  return jnp.concatenate(outs, axis=0)[:, 0]

# --- scband reference (transcript-rebuilt; emitter-appended) ---
"""Pipeline reference for scband-graph-rec-11304353923460 (READ-ONLY COPY).

The authoritative reference and input builder live on the scoring server;
editing this copy changes nothing except your own understanding.
"""

import jax, jax.numpy as jnp
import numpy as np

B = 1024; L = 50; S = 50; D = 64; NU = 100000; NI = 100000; NR = 5

LINS = [("gu1", 2 * D, D), ("gu2", D, D), ("ai1", 2 * D, D), ("ai2", D, D), ("ai3", D, 1),
        ("gv1", 2 * D, D), ("gv2", D, D), ("aI1", 2 * D, D), ("aI2", D, D), ("aI3", D, 1),
        ("aS1", 2 * D, D), ("aS2", D, D), ("aS3", D, 1), ("um1", 2 * D, D), ("um2", D, D),
        ("ur1", D, D), ("ur2", D, D), ("vr1", D, D), ("vr2", D, D),
        ("uv1", 2 * D, D), ("uv2", D, 16), ("uv3", 16, 1)]

INT_KEYS = ["nodes_u", "nodes_v", "history_u", "history_ur", "history_v", "history_vr", "social_adj"]


def setup_inputs(seed: int = 0) -> dict:
    key = jax.random.key(seed)
    ks = jax.random.split(key, 64)
    inp = {}
    inp["nodes_u"] = jax.random.randint(ks[0], (B,), 0, NU)
    inp["nodes_v"] = jax.random.randint(ks[1], (B,), 0, NI)
    inp["history_u"] = jax.random.randint(ks[2], (B, L), 0, NI)
    inp["history_ur"] = jax.random.randint(ks[3], (B, L), 0, NR)
    inp["history_v"] = jax.random.randint(ks[4], (B, L), 0, NU)
    inp["history_vr"] = jax.random.randint(ks[5], (B, L), 0, NR)
    inp["social_adj"] = jax.random.randint(ks[6], (B, S), 0, NU)
    inp["embed_u"] = jax.random.normal(ks[7], (NU, D), jnp.float32) * 0.05
    inp["embed_i"] = jax.random.normal(ks[8], (NI, D), jnp.float32) * 0.05
    inp["embed_r"] = jax.random.normal(ks[9], (NR, D), jnp.float32) * 0.05
    ki = 10
    for name, fi, fo in LINS:
        kw = ks[ki]; ki += 1
        inp[name + "_w"] = jax.random.normal(kw, (fi, fo), jnp.float32) * (1.0 / np.sqrt(fi))
        inp[name + "_b"] = jnp.zeros((fo,), jnp.float32)
    for bname, dim in [("bn1", D), ("bn2", D), ("bn3", D), ("bn4", 16)]:
        kw = ks[ki]; ki += 1
        inp[bname + "_g"] = 1.0 + 0.1 * jax.random.normal(kw, (dim,), jnp.float32)
        inp[bname + "_b"] = jnp.zeros((dim,), jnp.float32)
        inp[bname + "_m"] = jnp.zeros((dim,), jnp.float32)
        inp[bname + "_v"] = jnp.ones((dim,), jnp.float32)
    return inp


def _forward(p, it):
    relu = jax.nn.relu

    def mlp(x, n1, n2):
        h = relu(x @ p[n1 + "_w"] + p[n1 + "_b"])
        return relu(h @ p[n2 + "_w"] + p[n2 + "_b"])

    def att(neighs, u_rep, n1, n2, n3):
        pi = jnp.broadcast_to(u_rep[:, None, :], neighs.shape)
        h = jnp.concatenate([neighs, pi], axis=-1)
        h = relu(h @ p[n1 + "_w"] + p[n1 + "_b"])
        h = relu(h @ p[n2 + "_w"] + p[n2 + "_b"])
        h = h @ p[n3 + "_w"] + p[n3 + "_b"]
        return jax.nn.softmax(h, axis=1)

    def bn(x, n):
        return (x - p[n + "_m"]) / jnp.sqrt(p[n + "_v"] + 1e-5) * p[n + "_g"] + p[n + "_b"]

    # ItemModeling: aggregate user-rating history of each item
    qj = jnp.take(p["embed_i"], it["nodes_v"], axis=0)
    pt = jnp.take(p["embed_u"], it["history_v"], axis=0)
    er = jnp.take(p["embed_r"], it["history_vr"], axis=0)
    fjt = mlp(jnp.concatenate([pt, er], axis=-1), "gu1", "gu2")
    mu = att(fjt, qj, "ai1", "ai2", "ai3")
    zj = jnp.sum(fjt * mu, axis=1)
    # UserModeling: item-space aggregation + social aggregation
    pi_u = jnp.take(p["embed_u"], it["nodes_u"], axis=0)
    qa = jnp.take(p["embed_i"], it["history_u"], axis=0)
    eru = jnp.take(p["embed_r"], it["history_ur"], axis=0)
    xia = mlp(jnp.concatenate([qa, eru], axis=-1), "gv1", "gv2")
    alpha = att(xia, pi_u, "aI1", "aI2", "aI3")
    hi_I = jnp.sum(xia * alpha, axis=1)
    un = jnp.take(p["embed_u"], it["social_adj"], axis=0)
    beta = att(un, pi_u, "aS1", "aS2", "aS3")
    hi_S = jnp.sum(un * beta, axis=1)
    hi = mlp(jnp.concatenate([hi_I, hi_S], axis=1), "um1", "um2")
    # rating prediction head (eval mode: dropout = identity, BN uses running stats)
    hi = relu(bn(hi @ p["ur1_w"] + p["ur1_b"], "bn1"))
    hi = hi @ p["ur2_w"] + p["ur2_b"]
    zj = relu(bn(zj @ p["vr1_w"] + p["vr1_b"], "bn2"))
    zj = relu(zj @ p["vr1_w"] + p["vr1_b"])  # note: w_vr1 applied twice, as in the original
    zj = zj @ p["vr2_w"] + p["vr2_b"]
    x = jnp.concatenate([hi, zj], axis=1)
    x = relu(bn(x @ p["uv1_w"] + p["uv1_b"], "bn3"))
    x = relu(bn(x @ p["uv2_w"] + p["uv2_b"], "bn4"))
    scores = x @ p["uv3_w"] + p["uv3_b"]
    return scores[:, 0]


def reference(nodes_u, nodes_v, history_u, history_ur, history_v, history_vr, social_adj,
              embed_u, embed_i, embed_r,
              gu1_w, gu1_b, gu2_w, gu2_b, ai1_w, ai1_b, ai2_w, ai2_b, ai3_w, ai3_b,
              gv1_w, gv1_b, gv2_w, gv2_b, aI1_w, aI1_b, aI2_w, aI2_b, aI3_w, aI3_b,
              aS1_w, aS1_b, aS2_w, aS2_b, aS3_w, aS3_b, um1_w, um1_b, um2_w, um2_b,
              ur1_w, ur1_b, ur2_w, ur2_b, vr1_w, vr1_b, vr2_w, vr2_b,
              uv1_w, uv1_b, uv2_w, uv2_b, uv3_w, uv3_b,
              bn1_g, bn1_b, bn1_m, bn1_v, bn2_g, bn2_b, bn2_m, bn2_v,
              bn3_g, bn3_b, bn3_m, bn3_v, bn4_g, bn4_b, bn4_m, bn4_v):
    inputs = dict(locals())
    it = {k: inputs[k] for k in INT_KEYS}
    p = {k: v for k, v in inputs.items() if k not in INT_KEYS}
    return _forward(p, it)

if __name__ == "__main__":
    import jax
    _d = setup_inputs()
    print(jax.jit(kernel)(*tuple(_d.values())))

</pallas_src>

<mosaic_0001>
#map = affine_map<(d0, d1) -> (0)>
#map1 = affine_map<(d0, d1) -> (0, 0)>
module attributes {stable_mosaic.version = 14 : i64} {
  func.func @body(%arg0: i32, %arg1: i32, %arg2: memref<51200xi32, #tpu.memory_space<hbm>>, %arg3: memref<51200xi32, #tpu.memory_space<hbm>>, %arg4: memref<51200xi32, #tpu.memory_space<hbm>>, %arg5: memref<1024xi32, #tpu.memory_space<hbm>>, %arg6: memref<1024xi32, #tpu.memory_space<hbm>>, %arg7: memref<100000x64xf32, #tpu.memory_space<hbm>>, %arg8: memref<100000x64xf32, #tpu.memory_space<hbm>>, %arg9: memref<51200x64xf32, #tpu.memory_space<hbm>>, %arg10: memref<51200x64xf32, #tpu.memory_space<hbm>>, %arg11: memref<51200x64xf32, #tpu.memory_space<hbm>>, %arg12: memref<1024x64xf32, #tpu.memory_space<hbm>>, %arg13: memref<1024x64xf32, #tpu.memory_space<hbm>>, %arg14: memref<1600xi32, #tpu.memory_space<vmem>>, %arg15: memref<1600x64xf32, #tpu.memory_space<vmem>>, %arg16: memref<32xi32, #tpu.memory_space<vmem>>, %arg17: memref<32x64xf32, #tpu.memory_space<vmem>>, %arg18: memref<!tpu.dma_semaphore, #tpu.memory_space<semaphore_mem>>) attributes {dimension_semantics = [#tpu.dimension_semantics<core_parallel>, #tpu.dimension_semantics<subcore_parallel>], iteration_bounds = array<i64: 2, 16>, scalar_prefetch = 0 : i64, scratch_operands = 5 : i64, tpu.core_type = #tpu.core_type<sc_vector_subcore>, window_params = [{transform_indices = #map}, {transform_indices = #map}, {transform_indices = #map}, {transform_indices = #map}, {transform_indices = #map}, {transform_indices = #map1}, {transform_indices = #map1}, {transform_indices = #map1}, {transform_indices = #map1}, {transform_indices = #map1}, {transform_indices = #map1}, {transform_indices = #map1}]} {
    %mul3A = arith.constant 2 : i32
    %mul3A_0 = arith.muli %arg1, %mul3A : i32
    %add3A = arith.addi %mul3A_0, %arg0 : i32
    %mul3A_1 = arith.constant 1600 : i32
    %mul3A_2 = arith.muli %add3A, %mul3A_1 : i32
    "tpu.region"() ({
      %run_scoped3A = tpu.sem_alloc : memref<!tpu.dma_semaphore, #tpu.memory_space<semaphore_mem>>
      %dma_start3A_33 = tpu.memref_slice %arg2[%mul3A_2] : memref<51200xi32, #tpu.memory_space<hbm>> -> memref<1600xi32, #tpu.memory_space<hbm>>
      %dma_start3A_34 = tpu.memref_slice %arg2[%mul3A_2] : memref<51200xi32, #tpu.memory_space<hbm>> -> memref<1600xi32, #tpu.memory_space<hbm>>
      tpu.enqueue_dma source(%dma_start3A_34 : memref<1600xi32, #tpu.memory_space<hbm>>) target(%arg14 : memref<1600xi32, #tpu.memory_space<vmem>>) target_semaphore(%run_scoped3A : memref<!tpu.dma_semaphore, #tpu.memory_space<semaphore_mem>>)
      %dma_wait3A_35 = tpu.memref_slice %arg2[%mul3A_2] : memref<51200xi32, #tpu.memory_space<hbm>> -> memref<1600xi32, #tpu.memory_space<hbm>>
      %dma_wait3A_36 = tpu.memref_slice %arg2[%mul3A_2] : memref<51200xi32, #tpu.memory_space<hbm>> -> memref<1600xi32, #tpu.memory_space<hbm>>
      tpu.wait_dma2 semaphore(%run_scoped3A : memref<!tpu.dma_semaphore, #tpu.memory_space<semaphore_mem>>) src(%dma_wait3A_36 : memref<1600xi32, #tpu.memory_space<hbm>>) dst(%arg14 : memref<1600xi32, #tpu.memory_space<vmem>>)
      tpu.yield
    }) : () -> ()
    %dma_start3A = arith.constant 0 : i32
    %dma_start3A_3 = arith.constant 0 : i32
    %dma_start3A_4 = tpu.memref_slice %arg7[%dma_start3A, %dma_start3A_3] : memref<100000x64xf32, #tpu.memory_space<hbm>> -> memref<100000x64xf32, #tpu.memory_space<hbm>>
    tpu.enqueue_indirect_dma source(%dma_start3A_4 : memref<100000x64xf32, #tpu.memory_space<hbm>>) target(%arg15 : memref<1600x64xf32, #tpu.memory_space<vmem>>) offsets(%arg14 : memref<1600xi32, #tpu.memory_space<vmem>>) semaphore(%arg18 : memref<!tpu.dma_semaphore, #tpu.memory_space<semaphore_mem>>)
    %dma_wait3A = arith.constant 0 : i32
    %dma_wait3A_5 = arith.constant 0 : i32
    %dma_wait3A_6 = tpu.memref_slice %arg7[%dma_wait3A, %dma_wait3A_5] : memref<100000x64xf32, #tpu.memory_space<hbm>> -> memref<100000x64xf32, #tpu.memory_space<hbm>>
    tpu.wait_indirect_dma semaphore(%arg18 : memref<!tpu.dma_semaphore, #tpu.memory_space<semaphore_mem>>) src(%dma_wait3A_6 : memref<100000x64xf32, #tpu.memory_space<hbm>>) dst(%arg15 : memref<1600x64xf32, #tpu.memory_space<vmem>>)
    "tpu.region"() ({
      %run_scoped3A = tpu.sem_alloc : memref<!tpu.dma_semaphore, #tpu.memory_space<semaphore_mem>>
      %dma_start3A_33 = arith.constant 0 : i32
      %dma_start3A_34 = tpu.memref_slice %arg9[%mul3A_2, %dma_start3A_33] : memref<51200x64xf32, #tpu.memory_space<hbm>> -> memref<1600x64xf32, #tpu.memory_space<hbm>>
      %dma_start3A_35 = arith.constant 0 : i32
      %dma_start3A_36 = tpu.memref_slice %arg9[%mul3A_2, %dma_start3A_35] : memref<51200x64xf32, #tpu.memory_space<hbm>> -> memref<1600x64xf32, #tpu.memory_space<hbm>>
      tpu.enqueue_dma source(%arg15 : memref<1600x64xf32, #tpu.memory_space<vmem>>) target(%dma_start3A_36 : memref<1600x64xf32, #tpu.memory_space<hbm>>) target_semaphore(%run_scoped3A : memref<!tpu.dma_semaphore, #tpu.memory_space<semaphore_mem>>)
      %dma_wait3A_37 = arith.constant 0 : i32
      %dma_wait3A_38 = tpu.memref_slice %arg9[%mul3A_2, %dma_wait3A_37] : memref<51200x64xf32, #tpu.memory_space<hbm>> -> memref<1600x64xf32, #tpu.memory_space<hbm>>
      %dma_wait3A_39 = arith.constant 0 : i32
      %dma_wait3A_40 = tpu.memref_slice %arg9[%mul3A_2, %dma_wait3A_39] : memref<51200x64xf32, #tpu.memory_space<hbm>> -> memref<1600x64xf32, #tpu.memory_space<hbm>>
      tpu.wait_dma2 semaphore(%run_scoped3A : memref<!tpu.dma_semaphore, #tpu.memory_space<semaphore_mem>>) src(%arg15 : memref<1600x64xf32, #tpu.memory_space<vmem>>) dst(%dma_wait3A_40 : memref<1600x64xf32, #tpu.memory_space<hbm>>)
      tpu.yield
    }) : () -> ()
    "tpu.region"() ({
      %run_scoped3A = tpu.sem_alloc : memref<!tpu.dma_semaphore, #tpu.memory_space<semaphore_mem>>
      %dma_start3A_33 = tpu.memref_slice %arg3[%mul3A_2] : memref<51200xi32, #tpu.memory_space<hbm>> -> memref<1600xi32, #tpu.memory_space<hbm>>
      %dma_start3A_34 = tpu.memref_slice %arg3[%mul3A_2] : memref<51200xi32, #tpu.memory_space<hbm>> -> memref<1600xi32, #tpu.memory_space<hbm>>
      tpu.enqueue_dma source(%dma_start3A_34 : memref<1600xi32, #tpu.memory_space<hbm>>) target(%arg14 : memref<1600xi32, #tpu.memory_space<vmem>>) target_semaphore(%run_scoped3A : memref<!tpu.dma_semaphore, #tpu.memory_space<semaphore_mem>>)
      %dma_wait3A_35 = tpu.memref_slice %arg3[%mul3A_2] : memref<51200xi32, #tpu.memory_space<hbm>> -> memref<1600xi32, #tpu.memory_space<hbm>>
      %dma_wait3A_36 = tpu.memref_slice %arg3[%mul3A_2] : memref<51200xi32, #tpu.memory_space<hbm>> -> memref<1600xi32, #tpu.memory_space<hbm>>
      tpu.wait_dma2 semaphore(%run_scoped3A : memref<!tpu.dma_semaphore, #tpu.memory_space<semaphore_mem>>) src(%dma_wait3A_36 : memref<1600xi32, #tpu.memory_space<hbm>>) dst(%arg14 : memref<1600xi32, #tpu.memory_space<vmem>>)
      tpu.yield
    }) : () -> ()
    %dma_start3A_7 = arith.constant 0 : i32
    %dma_start3A_8 = arith.constant 0 : i32
    %dma_start3A_9 = tpu.memref_slice %arg7[%dma_start3A_7, %dma_start3A_8] : memref<100000x64xf32, #tpu.memory_space<hbm>> -> memref<100000x64xf32, #tpu.memory_space<hbm>>
    tpu.enqueue_indirect_dma source(%dma_start3A_9 : memref<100000x64xf32, #tpu.memory_space<hbm>>) target(%arg15 : memref<1600x64xf32, #tpu.memory_space<vmem>>) offsets(%arg14 : memref<1600xi32, #tpu.memory_space<vmem>>) semaphore(%arg18 : memref<!tpu.dma_semaphore, #tpu.memory_space<semaphore_mem>>)
    %dma_wait3A_10 = arith.constant 0 : i32
    %dma_wait3A_11 = arith.constant 0 : i32
    %dma_wait3A_12 = tpu.memref_slice %arg7[%dma_wait3A_10, %dma_wait3A_11] : memref<100000x64xf32, #tpu.memory_space<hbm>> -> memref<100000x64xf32, #tpu.memory_space<hbm>>
    tpu.wait_indirect_dma semaphore(%arg18 : memref<!tpu.dma_semaphore, #tpu.memory_space<semaphore_mem>>) src(%dma_wait3A_12 : memref<100000x64xf32, #tpu.memory_space<hbm>>) dst(%arg15 : memref<1600x64xf32, #tpu.memory_space<vmem>>)
    "tpu.region"() ({
      %run_scoped3A = tpu.sem_alloc : memref<!tpu.dma_semaphore, #tpu.memory_space<semaphore_mem>>
      %dma_start3A_33 = arith.constant 0 : i32
      %dma_start3A_34 = tpu.memref_slice %arg10[%mul3A_2, %dma_start3A_33] : memref<51200x64xf32, #tpu.memory_space<hbm>> -> memref<1600x64xf32, #tpu.memory_space<hbm>>
      %dma_start3A_35 = arith.constant 0 : i32
      %dma_start3A_36 = tpu.memref_slice %arg10[%mul3A_2, %dma_start3A_35] : memref<51200x64xf32, #tpu.memory_space<hbm>> -> memref<1600x64xf32, #tpu.memory_space<hbm>>
      tpu.enqueue_dma source(%arg15 : memref<1600x64xf32, #tpu.memory_space<vmem>>) target(%dma_start3A_36 : memref<1600x64xf32, #tpu.memory_space<hbm>>) target_semaphore(%run_scoped3A : memref<!tpu.dma_semaphore, #tpu.memory_space<semaphore_mem>>)
      %dma_wait3A_37 = arith.constant 0 : i32
      %dma_wait3A_38 = tpu.memref_slice %arg10[%mul3A_2, %dma_wait3A_37] : memref<51200x64xf32, #tpu.memory_space<hbm>> -> memref<1600x64xf32, #tpu.memory_space<hbm>>
      %dma_wait3A_39 = arith.constant 0 : i32
      %dma_wait3A_40 = tpu.memref_slice %arg10[%mul3A_2, %dma_wait3A_39] : memref<51200x64xf32, #tpu.memory_space<hbm>> -> memref<1600x64xf32, #tpu.memory_space<hbm>>
      tpu.wait_dma2 semaphore(%run_scoped3A : memref<!tpu.dma_semaphore, #tpu.memory_space<semaphore_mem>>) src(%arg15 : memref<1600x64xf32, #tpu.memory_space<vmem>>) dst(%dma_wait3A_40 : memref<1600x64xf32, #tpu.memory_space<hbm>>)
      tpu.yield
    }) : () -> ()
    "tpu.region"() ({
      %run_scoped3A = tpu.sem_alloc : memref<!tpu.dma_semaphore, #tpu.memory_space<semaphore_mem>>
      %dma_start3A_33 = tpu.memref_slice %arg4[%mul3A_2] : memref<51200xi32, #tpu.memory_space<hbm>> -> memref<1600xi32, #tpu.memory_space<hbm>>
      %dma_start3A_34 = tpu.memref_slice %arg4[%mul3A_2] : memref<51200xi32, #tpu.memory_space<hbm>> -> memref<1600xi32, #tpu.memory_space<hbm>>
      tpu.enqueue_dma source(%dma_start3A_34 : memref<1600xi32, #tpu.memory_space<hbm>>) target(%arg14 : memref<1600xi32, #tpu.memory_space<vmem>>) target_semaphore(%run_scoped3A : memref<!tpu.dma_semaphore, #tpu.memory_space<semaphore_mem>>)
      %dma_wait3A_35 = tpu.memref_slice %arg4[%mul3A_2] : memref<51200xi32, #tpu.memory_space<hbm>> -> memref<1600xi32, #tpu.memory_space<hbm>>
      %dma_wait3A_36 = tpu.memref_slice %arg4[%mul3A_2] : memref<51200xi32, #tpu.memory_space<hbm>> -> memref<1600xi32, #tpu.memory_space<hbm>>
      tpu.wait_dma2 semaphore(%run_scoped3A : memref<!tpu.dma_semaphore, #tpu.memory_space<semaphore_mem>>) src(%dma_wait3A_36 : memref<1600xi32, #tpu.memory_space<hbm>>) dst(%arg14 : memref<1600xi32, #tpu.memory_space<vmem>>)
      tpu.yield
    }) : () -> ()
    %dma_start3A_13 = arith.constant 0 : i32
    %dma_start3A_14 = arith.constant 0 : i32
    %dma_start3A_15 = tpu.memref_slice %arg8[%dma_start3A_13, %dma_start3A_14] : memref<100000x64xf32, #tpu.memory_space<hbm>> -> memref<100000x64xf32, #tpu.memory_space<hbm>>
    tpu.enqueue_indirect_dma source(%dma_start3A_15 : memref<100000x64xf32, #tpu.memory_space<hbm>>) target(%arg15 : memref<1600x64xf32, #tpu.memory_space<vmem>>) offsets(%arg14 : memref<1600xi32, #tpu.memory_space<vmem>>) semaphore(%arg18 : memref<!tpu.dma_semaphore, #tpu.memory_space<semaphore_mem>>)
    %dma_wait3A_16 = arith.constant 0 : i32
    %dma_wait3A_17 = arith.constant 0 : i32
    %dma_wait3A_18 = tpu.memref_slice %arg8[%dma_wait3A_16, %dma_wait3A_17] : memref<100000x64xf32, #tpu.memory_space<hbm>> -> memref<100000x64xf32, #tpu.memory_space<hbm>>
    tpu.wait_indirect_dma semaphore(%arg18 : memref<!tpu.dma_semaphore, #tpu.memory_space<semaphore_mem>>) src(%dma_wait3A_18 : memref<100000x64xf32, #tpu.memory_space<hbm>>) dst(%arg15 : memref<1600x64xf32, #tpu.memory_space<vmem>>)
    "tpu.region"() ({
      %run_scoped3A = tpu.sem_alloc : memref<!tpu.dma_semaphore, #tpu.memory_space<semaphore_mem>>
      %dma_start3A_33 = arith.constant 0 : i32
      %dma_start3A_34 = tpu.memref_slice %arg11[%mul3A_2, %dma_start3A_33] : memref<51200x64xf32, #tpu.memory_space<hbm>> -> memref<1600x64xf32, #tpu.memory_space<hbm>>
      %dma_start3A_35 = arith.constant 0 : i32
      %dma_start3A_36 = tpu.memref_slice %arg11[%mul3A_2, %dma_start3A_35] : memref<51200x64xf32, #tpu.memory_space<hbm>> -> memref<1600x64xf32, #tpu.memory_space<hbm>>
      tpu.enqueue_dma source(%arg15 : memref<1600x64xf32, #tpu.memory_space<vmem>>) target(%dma_start3A_36 : memref<1600x64xf32, #tpu.memory_space<hbm>>) target_semaphore(%run_scoped3A : memref<!tpu.dma_semaphore, #tpu.memory_space<semaphore_mem>>)
      %dma_wait3A_37 = arith.constant 0 : i32
      %dma_wait3A_38 = tpu.memref_slice %arg11[%mul3A_2, %dma_wait3A_37] : memref<51200x64xf32, #tpu.memory_space<hbm>> -> memref<1600x64xf32, #tpu.memory_space<hbm>>
      %dma_wait3A_39 = arith.constant 0 : i32
      %dma_wait3A_40 = tpu.memref_slice %arg11[%mul3A_2, %dma_wait3A_39] : memref<51200x64xf32, #tpu.memory_space<hbm>> -> memref<1600x64xf32, #tpu.memory_space<hbm>>
      tpu.wait_dma2 semaphore(%run_scoped3A : memref<!tpu.dma_semaphore, #tpu.memory_space<semaphore_mem>>) src(%arg15 : memref<1600x64xf32, #tpu.memory_space<vmem>>) dst(%dma_wait3A_40 : memref<1600x64xf32, #tpu.memory_space<hbm>>)
      tpu.yield
    }) : () -> ()
    %mul3A_19 = arith.constant 32 : i32
    %mul3A_20 = arith.muli %add3A, %mul3A_19 : i32
    "tpu.region"() ({
      %run_scoped3A = tpu.sem_alloc : memref<!tpu.dma_semaphore, #tpu.memory_space<semaphore_mem>>
      %dma_start3A_33 = tpu.memref_slice %arg5[%mul3A_20] : memref<1024xi32, #tpu.memory_space<hbm>> -> memref<32xi32, #tpu.memory_space<hbm>>
      %dma_start3A_34 = tpu.memref_slice %arg5[%mul3A_20] : memref<1024xi32, #tpu.memory_space<hbm>> -> memref<32xi32, #tpu.memory_space<hbm>>
      tpu.enqueue_dma source(%dma_start3A_34 : memref<32xi32, #tpu.memory_space<hbm>>) target(%arg16 : memref<32xi32, #tpu.memory_space<vmem>>) target_semaphore(%run_scoped3A : memref<!tpu.dma_semaphore, #tpu.memory_space<semaphore_mem>>)
      %dma_wait3A_35 = tpu.memref_slice %arg5[%mul3A_20] : memref<1024xi32, #tpu.memory_space<hbm>> -> memref<32xi32, #tpu.memory_space<hbm>>
      %dma_wait3A_36 = tpu.memref_slice %arg5[%mul3A_20] : memref<1024xi32, #tpu.memory_space<hbm>> -> memref<32xi32, #tpu.memory_space<hbm>>
      tpu.wait_dma2 semaphore(%run_scoped3A : memref<!tpu.dma_semaphore, #tpu.memory_space<semaphore_mem>>) src(%dma_wait3A_36 : memref<32xi32, #tpu.memory_space<hbm>>) dst(%arg16 : memref<32xi32, #tpu.memory_space<vmem>>)
      tpu.yield
    }) : () -> ()
    %dma_start3A_21 = arith.constant 0 : i32
    %dma_start3A_22 = arith.constant 0 : i32
    %dma_start3A_23 = tpu.memref_slice %arg7[%dma_start3A_21, %dma_start3A_22] : memref<100000x64xf32, #tpu.memory_space<hbm>> -> memref<100000x64xf32, #tpu.memory_space<hbm>>
    tpu.enqueue_indirect_dma source(%dma_start3A_23 : memref<100000x64xf32, #tpu.memory_space<hbm>>) target(%arg17 : memref<32x64xf32, #tpu.memory_space<vmem>>) offsets(%arg16 : memref<32xi32, #tpu.memory_space<vmem>>) semaphore(%arg18 : memref<!tpu.dma_semaphore, #tpu.memory_space<semaphore_mem>>)
    %dma_wait3A_24 = arith.constant 0 : i32
    %dma_wait3A_25 = arith.constant 0 : i32
    %dma_wait3A_26 = tpu.memref_slice %arg7[%dma_wait3A_24, %dma_wait3A_25] : memref<100000x64xf32, #tpu.memory_space<hbm>> -> memref<100000x64xf32, #tpu.memory_space<hbm>>
    tpu.wait_indirect_dma semaphore(%arg18 : memref<!tpu.dma_semaphore, #tpu.memory_space<semaphore_mem>>) src(%dma_wait3A_26 : memref<100000x64xf32, #tpu.memory_space<hbm>>) dst(%arg17 : memref<32x64xf32, #tpu.memory_space<vmem>>)
    "tpu.region"() ({
      %run_scoped3A = tpu.sem_alloc : memref<!tpu.dma_semaphore, #tpu.memory_space<semaphore_mem>>
      %dma_start3A_33 = arith.constant 0 : i32
      %dma_start3A_34 = tpu.memref_slice %arg12[%mul3A_20, %dma_start3A_33] : memref<1024x64xf32, #tpu.memory_space<hbm>> -> memref<32x64xf32, #tpu.memory_space<hbm>>
      %dma_start3A_35 = arith.constant 0 : i32
      %dma_start3A_36 = tpu.memref_slice %arg12[%mul3A_20, %dma_start3A_35] : memref<1024x64xf32, #tpu.memory_space<hbm>> -> memref<32x64xf32, #tpu.memory_space<hbm>>
      tpu.enqueue_dma source(%arg17 : memref<32x64xf32, #tpu.memory_space<vmem>>) target(%dma_start3A_36 : memref<32x64xf32, #tpu.memory_space<hbm>>) target_semaphore(%run_scoped3A : memref<!tpu.dma_semaphore, #tpu.memory_space<semaphore_mem>>)
      %dma_wait3A_37 = arith.constant 0 : i32
      %dma_wait3A_38 = tpu.memref_slice %arg12[%mul3A_20, %dma_wait3A_37] : memref<1024x64xf32, #tpu.memory_space<hbm>> -> memref<32x64xf32, #tpu.memory_space<hbm>>
      %dma_wait3A_39 = arith.constant 0 : i32
      %dma_wait3A_40 = tpu.memref_slice %arg12[%mul3A_20, %dma_wait3A_39] : memref<1024x64xf32, #tpu.memory_space<hbm>> -> memref<32x64xf32, #tpu.memory_space<hbm>>
      tpu.wait_dma2 semaphore(%run_scoped3A : memref<!tpu.dma_semaphore, #tpu.memory_space<semaphore_mem>>) src(%arg17 : memref<32x64xf32, #tpu.memory_space<vmem>>) dst(%dma_wait3A_40 : memref<32x64xf32, #tpu.memory_space<hbm>>)
      tpu.yield
    }) : () -> ()
    "tpu.region"() ({
      %run_scoped3A = tpu.sem_alloc : memref<!tpu.dma_semaphore, #tpu.memory_space<semaphore_mem>>
      %dma_start3A_33 = tpu.memref_slice %arg6[%mul3A_20] : memref<1024xi32, #tpu.memory_space<hbm>> -> memref<32xi32, #tpu.memory_space<hbm>>
      %dma_start3A_34 = tpu.memref_slice %arg6[%mul3A_20] : memref<1024xi32, #tpu.memory_space<hbm>> -> memref<32xi32, #tpu.memory_space<hbm>>
      tpu.enqueue_dma source(%dma_start3A_34 : memref<32xi32, #tpu.memory_space<hbm>>) target(%arg16 : memref<32xi32, #tpu.memory_space<vmem>>) target_semaphore(%run_scoped3A : memref<!tpu.dma_semaphore, #tpu.memory_space<semaphore_mem>>)
      %dma_wait3A_35 = tpu.memref_slice %arg6[%mul3A_20] : memref<1024xi32, #tpu.memory_space<hbm>> -> memref<32xi32, #tpu.memory_space<hbm>>
      %dma_wait3A_36 = tpu.memref_slice %arg6[%mul3A_20] : memref<1024xi32, #tpu.memory_space<hbm>> -> memref<32xi32, #tpu.memory_space<hbm>>
      tpu.wait_dma2 semaphore(%run_scoped3A : memref<!tpu.dma_semaphore, #tpu.memory_space<semaphore_mem>>) src(%dma_wait3A_36 : memref<32xi32, #tpu.memory_space<hbm>>) dst(%arg16 : memref<32xi32, #tpu.memory_space<vmem>>)
      tpu.yield
    }) : () -> ()
    %dma_start3A_27 = arith.constant 0 : i32
    %dma_start3A_28 = arith.constant 0 : i32
    %dma_start3A_29 = tpu.memref_slice %arg8[%dma_start3A_27, %dma_start3A_28] : memref<100000x64xf32, #tpu.memory_space<hbm>> -> memref<100000x64xf32, #tpu.memory_space<hbm>>
    tpu.enqueue_indirect_dma source(%dma_start3A_29 : memref<100000x64xf32, #tpu.memory_space<hbm>>) target(%arg17 : memref<32x64xf32, #tpu.memory_space<vmem>>) offsets(%arg16 : memref<32xi32, #tpu.memory_space<vmem>>) semaphore(%arg18 : memref<!tpu.dma_semaphore, #tpu.memory_space<semaphore_mem>>)
    %dma_wait3A_30 = arith.constant 0 : i32
    %dma_wait3A_31 = arith.constant 0 : i32
    %dma_wait3A_32 = tpu.memref_slice %arg8[%dma_wait3A_30, %dma_wait3A_31] : memref<100000x64xf32, #tpu.memory_space<hbm>> -> memref<100000x64xf32, #tpu.memory_space<hbm>>
    tpu.wait_indirect_dma semaphore(%arg18 : memref<!tpu.dma_semaphore, #tpu.memory_space<semaphore_mem>>) src(%dma_wait3A_32 : memref<100000x64xf32, #tpu.memory_space<hbm>>) dst(%arg17 : memref<32x64xf32, #tpu.memory_space<vmem>>)
    "tpu.region"() ({
      %run_scoped3A = tpu.sem_alloc : memref<!tpu.dma_semaphore, #tpu.memory_space<semaphore_mem>>
      %dma_start3A_33 = arith.constant 0 : i32
      %dma_start3A_34 = tpu.memref_slice %arg13[%mul3A_20, %dma_start3A_33] : memref<1024x64xf32, #tpu.memory_space<hbm>> -> memref<32x64xf32, #tpu.memory_space<hbm>>
      %dma_start3A_35 = arith.constant 0 : i32
      %dma_start3A_36 = tpu.memref_slice %arg13[%mul3A_20, %dma_start3A_35] : memref<1024x64xf32, #tpu.memory_space<hbm>> -> memref<32x64xf32, #tpu.memory_space<hbm>>
      tpu.enqueue_dma source(%arg17 : memref<32x64xf32, #tpu.memory_space<vmem>>) target(%dma_start3A_36 : memref<32x64xf32, #tpu.memory_space<hbm>>) target_semaphore(%run_scoped3A : memref<!tpu.dma_semaphore, #tpu.memory_space<semaphore_mem>>)
      %dma_wait3A_37 = arith.constant 0 : i32
      %dma_wait3A_38 = tpu.memref_slice %arg13[%mul3A_20, %dma_wait3A_37] : memref<1024x64xf32, #tpu.memory_space<hbm>> -> memref<32x64xf32, #tpu.memory_space<hbm>>
      %dma_wait3A_39 = arith.constant 0 : i32
      %dma_wait3A_40 = tpu.memref_slice %arg13[%mul3A_20, %dma_wait3A_39] : memref<1024x64xf32, #tpu.memory_space<hbm>> -> memref<32x64xf32, #tpu.memory_space<hbm>>
      tpu.wait_dma2 semaphore(%run_scoped3A : memref<!tpu.dma_semaphore, #tpu.memory_space<semaphore_mem>>) src(%arg17 : memref<32x64xf32, #tpu.memory_space<vmem>>) dst(%dma_wait3A_40 : memref<32x64xf32, #tpu.memory_space<hbm>>)
      tpu.yield
    }) : () -> ()
    return
  }
}

module attributes {stable_mosaic.version = 14 : i64} {
  func.func @_tc_body(%arg0: i32, %arg1: memref<6400x64xf32, #tpu.memory_space<vmem>>, %arg2: memref<6400x64xf32, #tpu.memory_space<vmem>>, %arg3: memref<6400x64xf32, #tpu.memory_space<vmem>>, %arg4: memref<128x64xf32, #tpu.memory_space<vmem>>, %arg5: memref<128x64xf32, #tpu.memory_space<vmem>>, %arg6: memref<6400x1xi32, #tpu.memory_space<vmem>>, %arg7: memref<6400x1xi32, #tpu.memory_space<vmem>>, %arg8: memref<16x128xf32, #tpu.memory_space<vmem>>, %arg9: memref<128x128xf32, #tpu.memory_space<vmem>>, %arg10: memref<128x128xf32, #tpu.memory_space<vmem>>, %arg11: memref<1x128xf32, #tpu.memory_space<vmem>>, %arg12: memref<128x128xf32, #tpu.memory_space<vmem>>, %arg13: memref<1x128xf32, #tpu.memory_space<vmem>>, %arg14: memref<128x128xf32, #tpu.memory_space<vmem>>, %arg15: memref<128x128xf32, #tpu.memory_space<vmem>>, %arg16: memref<1x128xf32, #tpu.memory_space<vmem>>, %arg17: memref<128x128xf32, #tpu.memory_space<vmem>>, %arg18: memref<1x128xf32, #tpu.memory_space<vmem>>, %arg19: memref<1x128xf32, #tpu.memory_space<vmem>>, %arg20: memref<64x64xf32, #tpu.memory_space<vmem>>, %arg21: memref<64x64xf32, #tpu.memory_space<vmem>>, %arg22: memref<1x64xf32, #tpu.memory_space<vmem>>, %arg23: memref<64x64xf32, #tpu.memory_space<vmem>>, %arg24: memref<1x64xf32, #tpu.memory_space<vmem>>, %arg25: memref<1x64xf32, #tpu.memory_space<vmem>>, %arg26: memref<64x64xf32, #tpu.memory_space<vmem>>, %arg27: memref<64x64xf32, #tpu.memory_space<vmem>>, %arg28: memref<1x64xf32, #tpu.memory_space<vmem>>, %arg29: memref<64x64xf32, #tpu.memory_space<vmem>>, %arg30: memref<1x64xf32, #tpu.memory_space<vmem>>, %arg31: memref<64x64xf32, #tpu.memory_space<vmem>>, %arg32: memref<1x64xf32, #tpu.memory_space<vmem>>, %arg33: memref<64x64xf32, #tpu.memory_space<vmem>>, %arg34: memref<1x64xf32, #tpu.memory_space<vmem>>, %arg35: memref<64x64xf32, #tpu.memory_space<vmem>>, %arg36: memref<1x64xf32, #tpu.memory_space<vmem>>, %arg37: memref<64x64xf32, #tpu.memory_space<vmem>>, %arg38: memref<1x64xf32, #tpu.memory_space<vmem>>, %arg39: memref<64x64xf32, #tpu.memory_space<vmem>>, %arg40: memref<64x64xf32, #tpu.memory_space<vmem>>, %arg41: memref<1x64xf32, #tpu.memory_space<vmem>>, %arg42: memref<64x16xf32, #tpu.memory_space<vmem>>, %arg43: memref<1x16xf32, #tpu.memory_space<vmem>>, %arg44: memref<1x16xf32, #tpu.memory_space<vmem>>, %arg45: memref<1x1xf32, #tpu.memory_space<vmem>>, %arg46: memref<1x64xf32, #tpu.memory_space<vmem>>, %arg47: memref<1x64xf32, #tpu.memory_space<vmem>>, %arg48: memref<1x64xf32, #tpu.memory_space<vmem>>, %arg49: memref<1x64xf32, #tpu.memory_space<vmem>>, %arg50: memref<1x64xf32, #tpu.memory_space<vmem>>, %arg51: memref<1x64xf32, #tpu.memory_space<vmem>>, %arg52: memref<1x16xf32, #tpu.memory_space<vmem>>, %arg53: memref<1x16xf32, #tpu.memory_space<vmem>>, %arg54: memref<128x1xf32, #tpu.memory_space<vmem>>) attributes {dimension_semantics = [#tpu.dimension_semantics<arbitrary>], iteration_bounds = array<i64: 8>, scalar_prefetch = 0 : i64, scratch_operands = 0 : i64, tpu.core_type = #tpu.core_type<tc>, window_params = [{transform_indices = @transform_0, window_bounds = array<i64: 6400, 64>}, {transform_indices = @transform_1, window_bounds = array<i64: 6400, 64>}, {transform_indices = @transform_2, window_bounds = array<i64: 6400, 64>}, {transform_indices = @transform_3, window_bounds = array<i64: 128, 64>}, {transform_indices = @transform_4, window_bounds = array<i64: 128, 64>}, {transform_indices = @transform_5, window_bounds = array<i64: 6400, 1>}, {transform_indices = @transform_6, window_bounds = array<i64: 6400, 1>}, {pipeline_mode = #tpu.pipeline_mode<synchronous>, transform_indices = @transform_7, window_bounds = array<i64: 16, 128>}, {pipeline_mode = #tpu.pipeline_mode<synchronous>, transform_indices = @transform_8, window_bounds = array<i64: 128, 128>}, {pipeline_mode = #tpu.pipeline_mode<synchronous>, transform_indices = @transform_9, window_bounds = array<i64: 128, 128>}, {pipeline_mode = #tpu.pipeline_mode<synchronous>, transform_indices = @transform_10, window_bounds = array<i64: 1, 128>}, {pipeline_mode = #tpu.pipeline_mode<synchronous>, transform_indices = @transform_11, window_bounds = array<i64: 128, 128>}, {pipeline_mode = #tpu.pipeline_mode<synchronous>, transform_indices = @transform_12, window_bounds = array<i64: 1, 128>}, {pipeline_mode = #tpu.pipeline_mode<synchronous>, transform_indices = @transform_13, window_bounds = array<i64: 128, 128>}, {pipeline_mode = #tpu.pipeline_mode<synchronous>, transform_indices = @transform_14, window_bounds = array<i64: 128, 128>}, {pipeline_mode = #tpu.pipeline_mode<synchronous>, transform_indices = @transform_15, window_bounds = array<i64: 1, 128>}, {pipeline_mode = #tpu.pipeline_mode<synchronous>, transform_indices = @transform_16, window_bounds = array<i64: 128, 128>}, {pipeline_mode = #tpu.pipeline_mode<synchronous>, transform_indices = @transform_17, window_bounds = array<i64: 1, 128>}, {pipeline_mode = #tpu.pipeline_mode<synchronous>, transform_indices = @transform_18, window_bounds = array<i64: 1, 128>}, {pipeline_mode = #tpu.pipeline_mode<synchronous>, transform_indices = @transform_19, window_bounds = array<i64: 64, 64>}, {pipeline_mode = #tpu.pipeline_mode<synchronous>, transform_indices = @transform_20, window_bounds = array<i64: 64, 64>}, {pipeline_mode = #tpu.pipeline_mode<synchronous>, transform_indices = @transform_21, window_bounds = array<i64: 1, 64>}, {pipeline_mode = #tpu.pipeline_mode<synchronous>, transform_indices = @transform_22, window_bounds = array<i64: 64, 64>}, {pipeline_mode = #tpu.pipeline_mode<synchronous>, transform_indices = @transform_23, window_bounds = array<i64: 1, 64>}, {pipeline_mode = #tpu.pipeline_mode<synchronous>, transform_indices = @transform_24, window_bounds = array<i64: 1, 64>}, {pipeline_mode = #tpu.pipeline_mode<synchronous>, transform_indices = @transform_25, window_bounds = array<i64: 64, 64>}, {pipeline_mode = #tpu.pipeline_mode<synchronous>, transform_indices = @transform_26, window_bounds = array<i64: 64, 64>}, {pipeline_mode = #tpu.pipeline_mode<synchronous>, transform_indices = @transform_27, window_bounds = array<i64: 1, 64>}, {pipeline_mode = #tpu.pipeline_mode<synchronous>, transform_indices = @transform_28, window_bounds = array<i64: 64, 64>}, {pipeline_mode = #tpu.pipeline_mode<synchronous>, transform_indices = @transform_29, window_bounds = array<i64: 1, 64>}, {pipeline_mode = #tpu.pipeline_mode<synchronous>, transform_indices = @transform_30, window_bounds = array<i64: 64, 64>}, {pipeline_mode = #tpu.pipeline_mode<synchronous>, transform_indices = @transform_31, window_bounds = array<i64: 1, 64>}, {pipeline_mode = #tpu.pipeline_mode<synchronous>, transform_indices = @transform_32, window_bounds = array<i64: 64, 64>}, {pipeline_mode = #tpu.pipeline_mode<synchronous>, transform_indices = @transform_33, window_bounds = array<i64: 1, 64>}, {pipeline_mode = #tpu.pipeline_mode<synchronous>, transform_indices = @transform_34, window_bounds = array<i64: 64, 64>}, {pipeline_mode = #tpu.pipeline_mode<synchronous>, transform_indices = @transform_35, window_bounds = array<i64: 1, 64>}, {pipeline_mode = #tpu.pipeline_mode<synchronous>, transform_indices = @transform_36, window_bounds = array<i64: 64, 64>}, {pipeline_mode = #tpu.pipeline_mode<synchronous>, transform_indices = @transform_37, window_bounds = array<i64: 1, 64>}, {pipeline_mode = #tpu.pipeline_mode<synchronous>, transform_indices = @transform_38, window_bounds = array<i64: 64, 64>}, {pipeline_mode = #tpu.pipeline_mode<synchronous>, transform_indices = @transform_39, window_bounds = array<i64: 64, 64>}, {pipeline_mode = #tpu.pipeline_mode<synchronous>, transform_indices = @transform_40, window_bounds = array<i64: 1, 64>}, {pipeline_mode = #tpu.pipeline_mode<synchronous>, transform_indices = @transform_41, window_bounds = array<i64: 64, 16>}, {pipeline_mode = #tpu.pipeline_mode<synchronous>, transform_indices = @transform_42, window_bounds = array<i64: 1, 16>}, {pipeline_mode = #tpu.pipeline_mode<synchronous>, transform_indices = @transform_43, window_bounds = array<i64: 1, 16>}, {pipeline_mode = #tpu.pipeline_mode<synchronous>, transform_indices = @transform_44, window_bounds = array<i64: 1, 1>}, {pipeline_mode = #tpu.pipeline_mode<synchronous>, transform_indices = @transform_45, window_bounds = array<i64: 1, 64>}, {pipeline_mode = #tpu.pipeline_mode<synchronous>, transform_indices = @transform_46, window_bounds = array<i64: 1, 64>}, {pipeline_mode = #tpu.pipeline_mode<synchronous>, transform_indices = @transform_47, window_bounds = array<i64: 1, 64>}, {pipeline_mode = #tpu.pipeline_mode<synchronous>, transform_indices = @transform_48, window_bounds = array<i64: 1, 64>}, {pipeline_mode = #tpu.pipeline_mode<synchronous>, transform_indices = @transform_49, window_bounds = array<i64: 1, 64>}, {pipeline_mode = #tpu.pipeline_mode<synchronous>, transform_indices = @transform_50, window_bounds = array<i64: 1, 64>}, {pipeline_mode = #tpu.pipeline_mode<synchronous>, transform_indices = @transform_51, window_bounds = array<i64: 1, 16>}, {pipeline_mode = #tpu.pipeline_mode<synchronous>, transform_indices = @transform_52, window_bounds = array<i64: 1, 16>}, {transform_indices = @transform_53, window_bounds = array<i64: 128, 1>}]} {
    %get3A = arith.constant 0 : index
    %get3A_0 = arith.constant 0 : index
    %get3A_1 = vector.load %arg1[%get3A, %get3A_0] : memref<6400x64xf32, #tpu.memory_space<vmem>>, vector<6400x64xf32>
    %get3A_2 = arith.constant 0 : index
    %get3A_3 = arith.constant 0 : index
    %get3A_4 = vector.load %arg2[%get3A_2, %get3A_3] : memref<6400x64xf32, #tpu.memory_space<vmem>>, vector<6400x64xf32>
    %concatenate3A = tpu.concatenate %get3A_1, %get3A_4 in 1 : vector<6400x64xf32>, vector<6400x64xf32> -> vector<6400x128xf32>
    %get3A_5 = arith.constant 0 : index
    %get3A_6 = arith.constant 0 : index
    %get3A_7 = vector.load %arg4[%get3A_5, %get3A_6] : memref<128x64xf32, #tpu.memory_space<vmem>>, vector<128x64xf32>
    %get3A_8 = arith.constant 0 : index
    %get3A_9 = arith.constant 0 : index
    %get3A_10 = vector.load %arg5[%get3A_8, %get3A_9] : memref<128x64xf32, #tpu.memory_space<vmem>>, vector<128x64xf32>
    %concatenate3A_11 = tpu.concatenate %get3A_7, %get3A_10 in 1 : vector<128x64xf32>, vector<128x64xf32> -> vector<128x128xf32>
    %iota3A = tpu.iota {dimensions = array<i32: 1>} : vector<6400x16xi32>
    %lt3A = arith.constant 8 : i32
    %lt3A_12 = vector.broadcast %lt3A : i32 to vector<6400x16xi32>
    %lt3A_13 = arith.cmpi slt, %iota3A, %lt3A_12 : vector<6400x16xi32>
    %get3A_14 = arith.constant 0 : index
    %get3A_15 = arith.constant 0 : index
    %get3A_16 = vector.load %arg6[%get3A_14, %get3A_15] : memref<6400x1xi32, #tpu.memory_space<vmem>>, vector<6400x1xi32>
    %get3A_17 = arith.constant 0 : index
    %get3A_18 = arith.constant 0 : index
    %get3A_19 = vector.load %arg7[%get3A_17, %get3A_18] : memref<6400x1xi32, #tpu.memory_space<vmem>>, vector<6400x1xi32>
    %broadcast_in_dim3A = vector.shape_cast %get3A_16 : vector<6400x1xi32> to vector<6400x1xi32>
    %broadcast_in_dim3A_20 = vector.broadcast %broadcast_in_dim3A : vector<6400x1xi32> to vector<6400x16xi32>
    %broadcast_in_dim3A_21 = vector.shape_cast %get3A_19 : vector<6400x1xi32> to vector<6400x1xi32>
    %broadcast_in_dim3A_22 = vector.broadcast %broadcast_in_dim3A_21 : vector<6400x1xi32> to vector<6400x16xi32>
    %select_n3A = arith.select %lt3A_13, %broadcast_in_dim3A_20, %broadcast_in_dim3A_22 : vector<6400x16xi1>, vector<6400x16xi32>
    %and3A = arith.constant 7 : i32
    %and3A_23 = vector.broadcast %and3A : i32 to vector<6400x16xi32>
    %and3A_24 = arith.andi %iota3A, %and3A_23 : vector<6400x16xi32>
    %eq3A = arith.cmpi eq, %select_n3A, %and3A_24 : vector<6400x16xi32>
    %convert_element_type3A = arith.extui %eq3A : vector<6400x16xi1> to vector<6400x16xi32>
    %convert_element_type3A_25 = arith.sitofp %convert_element_type3A : vector<6400x16xi32> to vector<6400x16xf32>
    %get3A_26 = arith.constant 0 : index
    %get3A_27 = arith.constant 0 : index
    %get3A_28 = vector.load %arg8[%get3A_26, %get3A_27] : memref<16x128xf32, #tpu.memory_space<vmem>>, vector<16x128xf32>
    %dot_general3A = arith.constant dense<0.000000e+00> : vector<6400x128xf32>
    %dot_general3A_29 = tpu.matmul %convert_element_type3A_25, %get3A_28, %dot_general3A {dimension_numbers = #tpu.dot_dimension_numbers<[1], [0], [0], [1], [0, 0, 1, 1], [], []>, transpose_lhs_hint = false} : vector<6400x16xf32>, vector<16x128xf32>, vector<6400x128xf32> -> vector<6400x128xf32>
    %get3A_30 = arith.constant 0 : index
    %get3A_31 = arith.constant 0 : index
    %get3A_32 = vector.load %arg9[%get3A_30, %get3A_31] : memref<128x128xf32, #tpu.memory_space<vmem>>, vector<128x128xf32>
    %dot_general3A_33 = arith.constant dense<0.000000e+00> : vector<6400x128xf32>
    %dot_general3A_34 = tpu.matmul %concatenate3A, %get3A_32, %dot_general3A_33 {dimension_numbers = #tpu.dot_dimension_numbers<[1], [0], [0], [1], [0, 0, 1, 1], [], []>, transpose_lhs_hint = false} : vector<6400x128xf32>, vector<128x128xf32>, vector<6400x128xf32> -> vector<6400x128xf32>
    %get3A_35 = arith.constant 0 : index
    %get3A_36 = arith.constant 0 : index
    %get3A_37 = vector.load %arg10[%get3A_35, %get3A_36] : memref<128x128xf32, #tpu.memory_space<vmem>>, vector<128x128xf32>
    %dot_general3A_38 = arith.constant dense<0.000000e+00> : vector<6400x128xf32>
    %dot_general3A_39 = tpu.matmul %dot_general3A_29, %get3A_37, %dot_general3A_38 {dimension_numbers = #tpu.dot_dimension_numbers<[1], [0], [0], [1], [0, 0, 1, 1], [], []>, transpose_lhs_hint = false} : vector<6400x128xf32>, vector<128x128xf32>, vector<6400x128xf32> -> vector<6400x128xf32>
    %add3A = arith.addf %dot_general3A_34, %dot_general3A_39 : vector<6400x128xf32>
    %get3A_40 = arith.constant 0 : index
    %get3A_41 = arith.constant 0 : index
    %get3A_42 = vector.load %arg11[%get3A_40, %get3A_41] : memref<1x128xf32, #tpu.memory_space<vmem>>, vector<1x128xf32>
    %add3A_43 = vector.broadcast %get3A_42 : vector<1x128xf32> to vector<6400x128xf32>
    %add3A_44 = arith.addf %add3A, %add3A_43 : vector<6400x128xf32>
    %max3A = arith.constant 0.000000e+00 : f32
    %max3A_45 = vector.broadcast %max3A : f32 to vector<6400x128xf32>
    %max3A_46 = arith.maximumf %add3A_44, %max3A_45 : vector<6400x128xf32>
    %get3A_47 = arith.constant 0 : index
    %get3A_48 = arith.constant 0 : index
    %get3A_49 = vector.load %arg12[%get3A_47, %get3A_48] : memref<128x128xf32, #tpu.memory_space<vmem>>, vector<128x128xf32>
    %dot_general3A_50 = arith.constant dense<0.000000e+00> : vector<6400x128xf32>
    %dot_general3A_51 = tpu.matmul %max3A_46, %get3A_49, %dot_general3A_50 {dimension_numbers = #tpu.dot_dimension_numbers<[1], [0], [0], [1], [0, 0, 1, 1], [], []>, transpose_lhs_hint = false} : vector<6400x128xf32>, vector<128x128xf32>, vector<6400x128xf32> -> vector<6400x128xf32>
    %get3A_52 = arith.constant 0 : index
    %get3A_53 = arith.constant 0 : index
    %get3A_54 = vector.load %arg13[%get3A_52, %get3A_53] : memref<1x128xf32, #tpu.memory_space<vmem>>, vector<1x128xf32>
    %add3A_55 = vector.broadcast %get3A_54 : vector<1x128xf32> to vector<6400x128xf32>
    %add3A_56 = arith.addf %dot_general3A_51, %add3A_55 : vector<6400x128xf32>
    %max3A_57 = arith.constant 0.000000e+00 : f32
    %max3A_58 = vector.broadcast %max3A_57 : f32 to vector<6400x128xf32>
    %max3A_59 = arith.maximumf %add3A_56, %max3A_58 : vector<6400x128xf32>
    %get3A_60 = arith.constant 0 : index
    %get3A_61 = arith.constant 0 : index
    %get3A_62 = vector.load %arg14[%get3A_60, %get3A_61] : memref<128x128xf32, #tpu.memory_space<vmem>>, vector<128x128xf32>
    %dot_general3A_63 = arith.constant dense<0.000000e+00> : vector<6400x128xf32>
    %dot_general3A_64 = tpu.matmul %max3A_59, %get3A_62, %dot_general3A_63 {dimension_numbers = #tpu.dot_dimension_numbers<[1], [0], [0], [1], [0, 0, 1, 1], [], []>, transpose_lhs_hint = false} : vector<6400x128xf32>, vector<128x128xf32>, vector<6400x128xf32> -> vector<6400x128xf32>
    %get3A_65 = arith.constant 0 : index
    %get3A_66 = arith.constant 0 : index
    %get3A_67 = vector.load %arg15[%get3A_65, %get3A_66] : memref<128x128xf32, #tpu.memory_space<vmem>>, vector<128x128xf32>
    %dot_general3A_68 = arith.constant dense<0.000000e+00> : vector<128x128xf32>
    %dot_general3A_69 = tpu.matmul %concatenate3A_11, %get3A_67, %dot_general3A_68 {dimension_numbers = #tpu.dot_dimension_numbers<[1], [0], [0], [1], [0, 0, 1, 1], [], []>, transpose_lhs_hint = false} : vector<128x128xf32>, vector<128x128xf32>, vector<128x128xf32> -> vector<128x128xf32>
    %get3A_70 = arith.constant 0 : index
    %get3A_71 = arith.constant 0 : index
    %get3A_72 = vector.load %arg16[%get3A_70, %get3A_71] : memref<1x128xf32, #tpu.memory_space<vmem>>, vector<1x128xf32>
    %add3A_73 = vector.broadcast %get3A_72 : vector<1x128xf32> to vector<128x128xf32>
    %add3A_74 = arith.addf %dot_general3A_69, %add3A_73 : vector<128x128xf32>
    %reshape3A = vector.shape_cast %dot_general3A_64 : vector<6400x128xf32> to vector<128x50x128xf32>
    %broadcast_in_dim3A_75 = vector.shape_cast %add3A_74 : vector<128x128xf32> to vector<128x1x128xf32>
    %add3A_76 = vector.broadcast %broadcast_in_dim3A_75 : vector<128x1x128xf32> to vector<128x50x128xf32>
    %add3A_77 = arith.addf %reshape3A, %add3A_76 : vector<128x50x128xf32>
    %max3A_78 = arith.constant 0.000000e+00 : f32
    %max3A_79 = vector.broadcast %max3A_78 : f32 to vector<128x50x128xf32>
    %max3A_80 = arith.maximumf %add3A_77, %max3A_79 : vector<128x50x128xf32>
    %reshape3A_81 = vector.shape_cast %max3A_80 : vector<128x50x128xf32> to vector<6400x128xf32>
    %get3A_82 = arith.constant 0 : index
    %get3A_83 = arith.constant 0 : index
    %get3A_84 = vector.load %arg17[%get3A_82, %get3A_83] : memref<128x128xf32, #tpu.memory_space<vmem>>, vector<128x128xf32>
    %dot_general3A_85 = arith.constant dense<0.000000e+00> : vector<6400x128xf32>
    %dot_general3A_86 = tpu.matmul %reshape3A_81, %get3A_84, %dot_general3A_85 {dimension_numbers = #tpu.dot_dimension_numbers<[1], [0], [0], [1], [0, 0, 1, 1], [], []>, transpose_lhs_hint = false} : vector<6400x128xf32>, vector<128x128xf32>, vector<6400x128xf32> -> vector<6400x128xf32>
    %get3A_87 = arith.constant 0 : index
    %get3A_88 = arith.constant 0 : index
    %get3A_89 = vector.load %arg18[%get3A_87, %get3A_88] : memref<1x128xf32, #tpu.memory_space<vmem>>, vector<1x128xf32>
    %add3A_90 = vector.broadcast %get3A_89 : vector<1x128xf32> to vector<6400x128xf32>
    %add3A_91 = arith.addf %dot_general3A_86, %add3A_90 : vector<6400x128xf32>
    %max3A_92 = arith.constant 0.000000e+00 : f32
    %max3A_93 = vector.broadcast %max3A_92 : f32 to vector<6400x128xf32>
    %max3A_94 = arith.maximumf %add3A_91, %max3A_93 : vector<6400x128xf32>
    %convert_element_type3A_95 = arith.truncf %max3A_94 : vector<6400x128xf32> to vector<6400x128xbf16>
    %convert_element_type3A_96 = arith.extf %convert_element_type3A_95 : vector<6400x128xbf16> to vector<6400x128xf32>
    %get3A_97 = arith.constant 0 : index
    %get3A_98 = arith.constant 0 : index
    %get3A_99 = vector.load %arg19[%get3A_97, %get3A_98] : memref<1x128xf32, #tpu.memory_space<vmem>>, vector<1x128xf32>
    %convert_element_type3A_100 = arith.truncf %get3A_99 : vector<1x128xf32> to vector<1x128xbf16>
    %convert_element_type3A_101 = arith.extf %convert_element_type3A_100 : vector<1x128xbf16> to vector<1x128xf32>
    %mul3A = vector.broadcast %convert_element_type3A_101 : vector<1x128xf32> to vector<6400x128xf32>
    %mul3A_102 = arith.mulf %convert_element_type3A_96, %mul3A : vector<6400x128xf32>
    %reshape3A_103 = vector.shape_cast %mul3A_102 : vector<6400x128xf32> to vector<128x50x128xf32>
    %slice3A = vector.extract_strided_slice %reshape3A_103 {offsets = [0, 0, 0], sizes = [128, 50, 64], strides = [1, 1, 1]} : vector<128x50x128xf32> to vector<128x50x64xf32>
    %reduce_sum3A = arith.constant dense<0.000000e+00> : vector<128x50xf32>
    %reduce_sum3A_104 = vector.multi_reduction <add>, %slice3A, %reduce_sum3A [2] : vector<128x50x64xf32> to vector<128x50xf32>
    %reduce_max3A = arith.constant dense<0xFF800000> : vector<128xf32>
    %reduce_max3A_105 = vector.multi_reduction <maximumf>, %reduce_sum3A_104, %reduce_max3A [1] : vector<128x50xf32> to vector<128xf32>
    %broadcast_in_dim3A_106 = vector.shape_cast %reduce_max3A_105 : vector<128xf32> to vector<128x1xf32>
    %sub3A = vector.broadcast %broadcast_in_dim3A_106 : vector<128x1xf32> to vector<128x50xf32>
    %sub3A_107 = arith.subf %reduce_sum3A_104, %sub3A : vector<128x50xf32>
    %exp3A = math.exp %sub3A_107 : vector<128x50xf32>
    %reduce_sum3A_108 = arith.constant dense<0.000000e+00> : vector<128xf32>
    %reduce_sum3A_109 = vector.multi_reduction <add>, %exp3A, %reduce_sum3A_108 [1] : vector<128x50xf32> to vector<128xf32>
    %broadcast_in_dim3A_110 = vector.shape_cast %reduce_sum3A_109 : vector<128xf32> to vector<128x1xf32>
    %div3A = vector.broadcast %broadcast_in_dim3A_110 : vector<128x1xf32> to vector<128x50xf32>
    %div3A_111 = arith.divf %exp3A, %div3A : vector<128x50xf32>
    %slice3A_112 = vector.extract_strided_slice %reshape3A_103 {offsets = [0, 0, 64], sizes = [128, 50, 64], strides = [1, 1, 1]} : vector<128x50x128xf32> to vector<128x50x64xf32>
    %reduce_sum3A_113 = arith.constant dense<0.000000e+00> : vector<128x50xf32>
    %reduce_sum3A_114 = vector.multi_reduction <add>, %slice3A_112, %reduce_sum3A_113 [2] : vector<128x50x64xf32> to vector<128x50xf32>
    %reduce_max3A_115 = arith.constant dense<0xFF800000> : vector<128xf32>
    %reduce_max3A_116 = vector.multi_reduction <maximumf>, %reduce_sum3A_114, %reduce_max3A_115 [1] : vector<128x50xf32> to vector<128xf32>
    %broadcast_in_dim3A_117 = vector.shape_cast %reduce_max3A_116 : vector<128xf32> to vector<128x1xf32>
    %sub3A_118 = vector.broadcast %broadcast_in_dim3A_117 : vector<128x1xf32> to vector<128x50xf32>
    %sub3A_119 = arith.subf %reduce_sum3A_114, %sub3A_118 : vector<128x50xf32>
    %exp3A_120 = math.exp %sub3A_119 : vector<128x50xf32>
    %reduce_sum3A_121 = arith.constant dense<0.000000e+00> : vector<128xf32>
    %reduce_sum3A_122 = vector.multi_reduction <add>, %exp3A_120, %reduce_sum3A_121 [1] : vector<128x50xf32> to vector<128xf32>
    %broadcast_in_dim3A_123 = vector.shape_cast %reduce_sum3A_122 : vector<128xf32> to vector<128x1xf32>
    %div3A_124 = vector.broadcast %broadcast_in_dim3A_123 : vector<128x1xf32> to vector<128x50xf32>
    %div3A_125 = arith.divf %exp3A_120, %div3A_124 : vector<128x50xf32>
    %reshape3A_126 = vector.shape_cast %max3A_59 : vector<6400x128xf32> to vector<128x50x128xf32>
    %slice3A_127 = vector.extract_strided_slice %reshape3A_126 {offsets = [0, 0, 0], sizes = [128, 50, 64], strides = [1, 1, 1]} : vector<128x50x128xf32> to vector<128x50x64xf32>
    %broadcast_in_dim3A_128 = vector.shape_cast %div3A_111 : vector<128x50xf32> to vector<128x50x1xf32>
    %mul3A_129 = vector.broadcast %broadcast_in_dim3A_128 : vector<128x50x1xf32> to vector<128x50x64xf32>
    %mul3A_130 = arith.mulf %slice3A_127, %mul3A_129 : vector<128x50x64xf32>
    %reduce_sum3A_131 = arith.constant dense<0.000000e+00> : vector<128x64xf32>
    %reduce_sum3A_132 = vector.multi_reduction <add>, %mul3A_130, %reduce_sum3A_131 [1] : vector<128x50x64xf32> to vector<128x64xf32>
    %slice3A_133 = vector.extract_strided_slice %reshape3A_126 {offsets = [0, 0, 64], sizes = [128, 50, 64], strides = [1, 1, 1]} : vector<128x50x128xf32> to vector<128x50x64xf32>
    %broadcast_in_dim3A_134 = vector.shape_cast %div3A_125 : vector<128x50xf32> to vector<128x50x1xf32>
    %mul3A_135 = vector.broadcast %broadcast_in_dim3A_134 : vector<128x50x1xf32> to vector<128x50x64xf32>
    %mul3A_136 = arith.mulf %slice3A_133, %mul3A_135 : vector<128x50x64xf32>
    %reduce_sum3A_137 = arith.constant dense<0.000000e+00> : vector<128x64xf32>
    %reduce_sum3A_138 = vector.multi_reduction <add>, %mul3A_136, %reduce_sum3A_137 [1] : vector<128x50x64xf32> to vector<128x64xf32>
    %get3A_139 = arith.constant 0 : index
    %get3A_140 = arith.constant 0 : index
    %get3A_141 = vector.load %arg3[%get3A_139, %get3A_140] : memref<6400x64xf32, #tpu.memory_space<vmem>>, vector<6400x64xf32>
    %get3A_142 = arith.constant 0 : index
    %get3A_143 = arith.constant 0 : index
    %get3A_144 = vector.load %arg5[%get3A_142, %get3A_143] : memref<128x64xf32, #tpu.memory_space<vmem>>, vector<128x64xf32>
    %get3A_145 = arith.constant 0 : index
    %get3A_146 = arith.constant 0 : index
    %get3A_147 = vector.load %arg20[%get3A_145, %get3A_146] : memref<64x64xf32, #tpu.memory_space<vmem>>, vector<64x64xf32>
    %dot_general3A_148 = arith.constant dense<0.000000e+00> : vector<6400x64xf32>
    %dot_general3A_149 = tpu.matmul %get3A_141, %get3A_147, %dot_general3A_148 {dimension_numbers = #tpu.dot_dimension_numbers<[1], [0], [0], [1], [0, 0, 1, 1], [], []>, transpose_lhs_hint = false} : vector<6400x64xf32>, vector<64x64xf32>, vector<6400x64xf32> -> vector<6400x64xf32>
    %get3A_150 = arith.constant 0 : index
    %get3A_151 = arith.constant 0 : index
    %get3A_152 = vector.load %arg21[%get3A_150, %get3A_151] : memref<64x64xf32, #tpu.memory_space<vmem>>, vector<64x64xf32>
    %dot_general3A_153 = arith.constant dense<0.000000e+00> : vector<128x64xf32>
    %dot_general3A_154 = tpu.matmul %get3A_144, %get3A_152, %dot_general3A_153 {dimension_numbers = #tpu.dot_dimension_numbers<[1], [0], [0], [1], [0, 0, 1, 1], [], []>, transpose_lhs_hint = false} : vector<128x64xf32>, vector<64x64xf32>, vector<128x64xf32> -> vector<128x64xf32>
    %get3A_155 = arith.constant 0 : index
    %get3A_156 = arith.constant 0 : index
    %get3A_157 = vector.load %arg22[%get3A_155, %get3A_156] : memref<1x64xf32, #tpu.memory_space<vmem>>, vector<1x64xf32>
    %add3A_158 = vector.broadcast %get3A_157 : vector<1x64xf32> to vector<128x64xf32>
    %add3A_159 = arith.addf %dot_general3A_154, %add3A_158 : vector<128x64xf32>
    %reshape3A_160 = vector.shape_cast %dot_general3A_149 : vector<6400x64xf32> to vector<128x50x64xf32>
    %broadcast_in_dim3A_161 = vector.shape_cast %add3A_159 : vector<128x64xf32> to vector<128x1x64xf32>
    %add3A_162 = vector.broadcast %broadcast_in_dim3A_161 : vector<128x1x64xf32> to vector<128x50x64xf32>
    %add3A_163 = arith.addf %reshape3A_160, %add3A_162 : vector<128x50x64xf32>
    %max3A_164 = arith.constant 0.000000e+00 : f32
    %max3A_165 = vector.broadcast %max3A_164 : f32 to vector<128x50x64xf32>
    %max3A_166 = arith.maximumf %add3A_163, %max3A_165 : vector<128x50x64xf32>
    %reshape3A_167 = vector.shape_cast %max3A_166 : vector<128x50x64xf32> to vector<6400x64xf32>
    %get3A_168 = arith.constant 0 : index
    %get3A_169 = arith.constant 0 : index
    %get3A_170 = vector.load %arg23[%get3A_168, %get3A_169] : memref<64x64xf32, #tpu.memory_space<vmem>>, vector<64x64xf32>
    %dot_general3A_171 = arith.constant dense<0.000000e+00> : vector<6400x64xf32>
    %dot_general3A_172 = tpu.matmul %reshape3A_167, %get3A_170, %dot_general3A_171 {dimension_numbers = #tpu.dot_dimension_numbers<[1], [0], [0], [1], [0, 0, 1, 1], [], []>, transpose_lhs_hint = false} : vector<6400x64xf32>, vector<64x64xf32>, vector<6400x64xf32> -> vector<6400x64xf32>
    %get3A_173 = arith.constant 0 : index
    %get3A_174 = arith.constant 0 : index
    %get3A_175 = vector.load %arg24[%get3A_173, %get3A_174] : memref<1x64xf32, #tpu.memory_space<vmem>>, vector<1x64xf32>
    %add3A_176 = vector.broadcast %get3A_175 : vector<1x64xf32> to vector<6400x64xf32>
    %add3A_177 = arith.addf %dot_general3A_172, %add3A_176 : vector<6400x64xf32>
    %max3A_178 = arith.constant 0.000000e+00 : f32
    %max3A_179 = vector.broadcast %max3A_178 : f32 to vector<6400x64xf32>
    %max3A_180 = arith.maximumf %add3A_177, %max3A_179 : vector<6400x64xf32>
    %convert_element_type3A_181 = arith.truncf %max3A_180 : vector<6400x64xf32> to vector<6400x64xbf16>
    %convert_element_type3A_182 = arith.extf %convert_element_type3A_181 : vector<6400x64xbf16> to vector<6400x64xf32>
    %get3A_183 = arith.constant 0 : index
    %get3A_184 = arith.constant 0 : index
    %get3A_185 = vector.load %arg25[%get3A_183, %get3A_184] : memref<1x64xf32, #tpu.memory_space<vmem>>, vector<1x64xf32>
    %convert_element_type3A_186 = arith.truncf %get3A_185 : vector<1x64xf32> to vector<1x64xbf16>
    %convert_element_type3A_187 = arith.extf %convert_element_type3A_186 : vector<1x64xbf16> to vector<1x64xf32>
    %mul3A_188 = vector.broadcast %convert_element_type3A_187 : vector<1x64xf32> to vector<6400x64xf32>
    %mul3A_189 = arith.mulf %convert_element_type3A_182, %mul3A_188 : vector<6400x64xf32>
    %reshape3A_190 = vector.shape_cast %mul3A_189 : vector<6400x64xf32> to vector<128x50x64xf32>
    %reduce_sum3A_191 = arith.constant dense<0.000000e+00> : vector<128x50xf32>
    %reduce_sum3A_192 = vector.multi_reduction <add>, %reshape3A_190, %reduce_sum3A_191 [2] : vector<128x50x64xf32> to vector<128x50xf32>
    %reduce_max3A_193 = arith.constant dense<0xFF800000> : vector<128xf32>
    %reduce_max3A_194 = vector.multi_reduction <maximumf>, %reduce_sum3A_192, %reduce_max3A_193 [1] : vector<128x50xf32> to vector<128xf32>
    %broadcast_in_dim3A_195 = vector.shape_cast %reduce_max3A_194 : vector<128xf32> to vector<128x1xf32>
    %sub3A_196 = vector.broadcast %broadcast_in_dim3A_195 : vector<128x1xf32> to vector<128x50xf32>
    %sub3A_197 = arith.subf %reduce_sum3A_192, %sub3A_196 : vector<128x50xf32>
    %exp3A_198 = math.exp %sub3A_197 : vector<128x50xf32>
    %reduce_sum3A_199 = arith.constant dense<0.000000e+00> : vector<128xf32>
    %reduce_sum3A_200 = vector.multi_reduction <add>, %exp3A_198, %reduce_sum3A_199 [1] : vector<128x50xf32> to vector<128xf32>
    %broadcast_in_dim3A_201 = vector.shape_cast %reduce_sum3A_200 : vector<128xf32> to vector<128x1xf32>
    %div3A_202 = vector.broadcast %broadcast_in_dim3A_201 : vector<128x1xf32> to vector<128x50xf32>
    %div3A_203 = arith.divf %exp3A_198, %div3A_202 : vector<128x50xf32>
    %reshape3A_204 = vector.shape_cast %get3A_141 : vector<6400x64xf32> to vector<128x50x64xf32>
    %broadcast_in_dim3A_205 = vector.shape_cast %div3A_203 : vector<128x50xf32> to vector<128x50x1xf32>
    %mul3A_206 = vector.broadcast %broadcast_in_dim3A_205 : vector<128x50x1xf32> to vector<128x50x64xf32>
    %mul3A_207 = arith.mulf %reshape3A_204, %mul3A_206 : vector<128x50x64xf32>
    %reduce_sum3A_208 = arith.constant dense<0.000000e+00> : vector<128x64xf32>
    %reduce_sum3A_209 = vector.multi_reduction <add>, %mul3A_207, %reduce_sum3A_208 [1] : vector<128x50x64xf32> to vector<128x64xf32>
    %get3A_210 = arith.constant 0 : index
    %get3A_211 = arith.constant 0 : index
    %get3A_212 = vector.load %arg26[%get3A_210, %get3A_211] : memref<64x64xf32, #tpu.memory_space<vmem>>, vector<64x64xf32>
    %dot_general3A_213 = arith.constant dense<0.000000e+00> : vector<128x64xf32>
    %dot_general3A_214 = tpu.matmul %reduce_sum3A_138, %get3A_212, %dot_general3A_213 {dimension_numbers = #tpu.dot_dimension_numbers<[1], [0], [0], [1], [0, 0, 1, 1], [], []>, transpose_lhs_hint = false} : vector<128x64xf32>, vector<64x64xf32>, vector<128x64xf32> -> vector<128x64xf32>
    %get3A_215 = arith.constant 0 : index
    %get3A_216 = arith.constant 0 : index
    %get3A_217 = vector.load %arg27[%get3A_215, %get3A_216] : memref<64x64xf32, #tpu.memory_space<vmem>>, vector<64x64xf32>
    %dot_general3A_218 = arith.constant dense<0.000000e+00> : vector<128x64xf32>
    %dot_general3A_219 = tpu.matmul %reduce_sum3A_209, %get3A_217, %dot_general3A_218 {dimension_numbers = #tpu.dot_dimension_numbers<[1], [0], [0], [1], [0, 0, 1, 1], [], []>, transpose_lhs_hint = false} : vector<128x64xf32>, vector<64x64xf32>, vector<128x64xf32> -> vector<128x64xf32>
    %add3A_220 = arith.addf %dot_general3A_214, %dot_general3A_219 : vector<128x64xf32>
    %get3A_221 = arith.constant 0 : index
    %get3A_222 = arith.constant 0 : index
    %get3A_223 = vector.load %arg28[%get3A_221, %get3A_222] : memref<1x64xf32, #tpu.memory_space<vmem>>, vector<1x64xf32>
    %add3A_224 = vector.broadcast %get3A_223 : vector<1x64xf32> to vector<128x64xf32>
    %add3A_225 = arith.addf %add3A_220, %add3A_224 : vector<128x64xf32>
    %max3A_226 = arith.constant 0.000000e+00 : f32
    %max3A_227 = vector.broadcast %max3A_226 : f32 to vector<128x64xf32>
    %max3A_228 = arith.maximumf %add3A_225, %max3A_227 : vector<128x64xf32>
    %get3A_229 = arith.constant 0 : index
    %get3A_230 = arith.constant 0 : index
    %get3A_231 = vector.load %arg29[%get3A_229, %get3A_230] : memref<64x64xf32, #tpu.memory_space<vmem>>, vector<64x64xf32>
    %dot_general3A_232 = arith.constant dense<0.000000e+00> : vector<128x64xf32>
    %dot_general3A_233 = tpu.matmul %max3A_228, %get3A_231, %dot_general3A_232 {dimension_numbers = #tpu.dot_dimension_numbers<[1], [0], [0], [1], [0, 0, 1, 1], [], []>, transpose_lhs_hint = false} : vector<128x64xf32>, vector<64x64xf32>, vector<128x64xf32> -> vector<128x64xf32>
    %get3A_234 = arith.constant 0 : index
    %get3A_235 = arith.constant 0 : index
    %get3A_236 = vector.load %arg30[%get3A_234, %get3A_235] : memref<1x64xf32, #tpu.memory_space<vmem>>, vector<1x64xf32>
    %add3A_237 = vector.broadcast %get3A_236 : vector<1x64xf32> to vector<128x64xf32>
    %add3A_238 = arith.addf %dot_general3A_233, %add3A_237 : vector<128x64xf32>
    %max3A_239 = arith.constant 0.000000e+00 : f32
    %max3A_240 = vector.broadcast %max3A_239 : f32 to vector<128x64xf32>
    %max3A_241 = arith.maximumf %add3A_238, %max3A_240 : vector<128x64xf32>
    %get3A_242 = arith.constant 0 : index
    %get3A_243 = arith.constant 0 : index
    %get3A_244 = vector.load %arg31[%get3A_242, %get3A_243] : memref<64x64xf32, #tpu.memory_space<vmem>>, vector<64x64xf32>
    %dot_general3A_245 = arith.constant dense<0.000000e+00> : vector<128x64xf32>
    %dot_general3A_246 = tpu.matmul %max3A_241, %get3A_244, %dot_general3A_245 {dimension_numbers = #tpu.dot_dimension_numbers<[1], [0], [0], [1], [0, 0, 1, 1], [], []>, transpose_lhs_hint = false} : vector<128x64xf32>, vector<64x64xf32>, vector<128x64xf32> -> vector<128x64xf32>
    %get3A_247 = arith.constant 0 : index
    %get3A_248 = arith.constant 0 : index
    %get3A_249 = vector.load %arg32[%get3A_247, %get3A_248] : memref<1x64xf32, #tpu.memory_space<vmem>>, vector<1x64xf32>
    %add3A_250 = vector.broadcast %get3A_249 : vector<1x64xf32> to vector<128x64xf32>
    %add3A_251 = arith.addf %dot_general3A_246, %add3A_250 : vector<128x64xf32>
    %get3A_252 = arith.constant 0 : index
    %get3A_253 = arith.constant 0 : index
    %get3A_254 = vector.load %arg46[%get3A_252, %get3A_253] : memref<1x64xf32, #tpu.memory_space<vmem>>, vector<1x64xf32>
    %mul3A_255 = vector.broadcast %get3A_254 : vector<1x64xf32> to vector<128x64xf32>
    %mul3A_256 = arith.mulf %add3A_251, %mul3A_255 : vector<128x64xf32>
    %get3A_257 = arith.constant 0 : index
    %get3A_258 = arith.constant 0 : index
    %get3A_259 = vector.load %arg47[%get3A_257, %get3A_258] : memref<1x64xf32, #tpu.memory_space<vmem>>, vector<1x64xf32>
    %add3A_260 = vector.broadcast %get3A_259 : vector<1x64xf32> to vector<128x64xf32>
    %add3A_261 = arith.addf %mul3A_256, %add3A_260 : vector<128x64xf32>
    %max3A_262 = arith.constant 0.000000e+00 : f32
    %max3A_263 = vector.broadcast %max3A_262 : f32 to vector<128x64xf32>
    %max3A_264 = arith.maximumf %add3A_261, %max3A_263 : vector<128x64xf32>
    %get3A_265 = arith.constant 0 : index
    %get3A_266 = arith.constant 0 : index
    %get3A_267 = vector.load %arg33[%get3A_265, %get3A_266] : memref<64x64xf32, #tpu.memory_space<vmem>>, vector<64x64xf32>
    %dot_general3A_268 = arith.constant dense<0.000000e+00> : vector<128x64xf32>
    %dot_general3A_269 = tpu.matmul %max3A_264, %get3A_267, %dot_general3A_268 {dimension_numbers = #tpu.dot_dimension_numbers<[1], [0], [0], [1], [0, 0, 1, 1], [], []>, transpose_lhs_hint = false} : vector<128x64xf32>, vector<64x64xf32>, vector<128x64xf32> -> vector<128x64xf32>
    %get3A_270 = arith.constant 0 : index
    %get3A_271 = arith.constant 0 : index
    %get3A_272 = vector.load %arg34[%get3A_270, %get3A_271] : memref<1x64xf32, #tpu.memory_space<vmem>>, vector<1x64xf32>
    %add3A_273 = vector.broadcast %get3A_272 : vector<1x64xf32> to vector<128x64xf32>
    %add3A_274 = arith.addf %dot_general3A_269, %add3A_273 : vector<128x64xf32>
    %get3A_275 = arith.constant 0 : index
    %get3A_276 = arith.constant 0 : index
    %get3A_277 = vector.load %arg35[%get3A_275, %get3A_276] : memref<64x64xf32, #tpu.memory_space<vmem>>, vector<64x64xf32>
    %dot_general3A_278 = arith.constant dense<0.000000e+00> : vector<128x64xf32>
    %dot_general3A_279 = tpu.matmul %reduce_sum3A_132, %get3A_277, %dot_general3A_278 {dimension_numbers = #tpu.dot_dimension_numbers<[1], [0], [0], [1], [0, 0, 1, 1], [], []>, transpose_lhs_hint = false} : vector<128x64xf32>, vector<64x64xf32>, vector<128x64xf32> -> vector<128x64xf32>
    %get3A_280 = arith.constant 0 : index
    %get3A_281 = arith.constant 0 : index
    %get3A_282 = vector.load %arg36[%get3A_280, %get3A_281] : memref<1x64xf32, #tpu.memory_space<vmem>>, vector<1x64xf32>
    %add3A_283 = vector.broadcast %get3A_282 : vector<1x64xf32> to vector<128x64xf32>
    %add3A_284 = arith.addf %dot_general3A_279, %add3A_283 : vector<128x64xf32>
    %get3A_285 = arith.constant 0 : index
    %get3A_286 = arith.constant 0 : index
    %get3A_287 = vector.load %arg48[%get3A_285, %get3A_286] : memref<1x64xf32, #tpu.memory_space<vmem>>, vector<1x64xf32>
    %mul3A_288 = vector.broadcast %get3A_287 : vector<1x64xf32> to vector<128x64xf32>
    %mul3A_289 = arith.mulf %add3A_284, %mul3A_288 : vector<128x64xf32>
    %get3A_290 = arith.constant 0 : index
    %get3A_291 = arith.constant 0 : index
    %get3A_292 = vector.load %arg49[%get3A_290, %get3A_291] : memref<1x64xf32, #tpu.memory_space<vmem>>, vector<1x64xf32>
    %add3A_293 = vector.broadcast %get3A_292 : vector<1x64xf32> to vector<128x64xf32>
    %add3A_294 = arith.addf %mul3A_289, %add3A_293 : vector<128x64xf32>
    %max3A_295 = arith.constant 0.000000e+00 : f32
    %max3A_296 = vector.broadcast %max3A_295 : f32 to vector<128x64xf32>
    %max3A_297 = arith.maximumf %add3A_294, %max3A_296 : vector<128x64xf32>
    %get3A_298 = arith.constant 0 : index
    %get3A_299 = arith.constant 0 : index
    %get3A_300 = vector.load %arg35[%get3A_298, %get3A_299] : memref<64x64xf32, #tpu.memory_space<vmem>>, vector<64x64xf32>
    %dot_general3A_301 = arith.constant dense<0.000000e+00> : vector<128x64xf32>
    %dot_general3A_302 = tpu.matmul %max3A_297, %get3A_300, %dot_general3A_301 {dimension_numbers = #tpu.dot_dimension_numbers<[1], [0], [0], [1], [0, 0, 1, 1], [], []>, transpose_lhs_hint = false} : vector<128x64xf32>, vector<64x64xf32>, vector<128x64xf32> -> vector<128x64xf32>
    %get3A_303 = arith.constant 0 : index
    %get3A_304 = arith.constant 0 : index
    %get3A_305 = vector.load %arg36[%get3A_303, %get3A_304] : memref<1x64xf32, #tpu.memory_space<vmem>>, vector<1x64xf32>
    %add3A_306 = vector.broadcast %get3A_305 : vector<1x64xf32> to vector<128x64xf32>
    %add3A_307 = arith.addf %dot_general3A_302, %add3A_306 : vector<128x64xf32>
    %max3A_308 = arith.constant 0.000000e+00 : f32
    %max3A_309 = vector.broadcast %max3A_308 : f32 to vector<128x64xf32>
    %max3A_310 = arith.maximumf %add3A_307, %max3A_309 : vector<128x64xf32>
    %get3A_311 = arith.constant 0 : index
    %get3A_312 = arith.constant 0 : index
    %get3A_313 = vector.load %arg37[%get3A_311, %get3A_312] : memref<64x64xf32, #tpu.memory_space<vmem>>, vector<64x64xf32>
    %dot_general3A_314 = arith.constant dense<0.000000e+00> : vector<128x64xf32>
    %dot_general3A_315 = tpu.matmul %max3A_310, %get3A_313, %dot_general3A_314 {dimension_numbers = #tpu.dot_dimension_numbers<[1], [0], [0], [1], [0, 0, 1, 1], [], []>, transpose_lhs_hint = false} : vector<128x64xf32>, vector<64x64xf32>, vector<128x64xf32> -> vector<128x64xf32>
    %get3A_316 = arith.constant 0 : index
    %get3A_317 = arith.constant 0 : index
    %get3A_318 = vector.load %arg38[%get3A_316, %get3A_317] : memref<1x64xf32, #tpu.memory_space<vmem>>, vector<1x64xf32>
    %add3A_319 = vector.broadcast %get3A_318 : vector<1x64xf32> to vector<128x64xf32>
    %add3A_320 = arith.addf %dot_general3A_315, %add3A_319 : vector<128x64xf32>
    %get3A_321 = arith.constant 0 : index
    %get3A_322 = arith.constant 0 : index
    %get3A_323 = vector.load %arg39[%get3A_321, %get3A_322] : memref<64x64xf32, #tpu.memory_space<vmem>>, vector<64x64xf32>
    %dot_general3A_324 = arith.constant dense<0.000000e+00> : vector<128x64xf32>
    %dot_general3A_325 = tpu.matmul %add3A_274, %get3A_323, %dot_general3A_324 {dimension_numbers = #tpu.dot_dimension_numbers<[1], [0], [0], [1], [0, 0, 1, 1], [], []>, transpose_lhs_hint = false} : vector<128x64xf32>, vector<64x64xf32>, vector<128x64xf32> -> vector<128x64xf32>
    %get3A_326 = arith.constant 0 : index
    %get3A_327 = arith.constant 0 : index
    %get3A_328 = vector.load %arg40[%get3A_326, %get3A_327] : memref<64x64xf32, #tpu.memory_space<vmem>>, vector<64x64xf32>
    %dot_general3A_329 = arith.constant dense<0.000000e+00> : vector<128x64xf32>
    %dot_general3A_330 = tpu.matmul %add3A_320, %get3A_328, %dot_general3A_329 {dimension_numbers = #tpu.dot_dimension_numbers<[1], [0], [0], [1], [0, 0, 1, 1], [], []>, transpose_lhs_hint = false} : vector<128x64xf32>, vector<64x64xf32>, vector<128x64xf32> -> vector<128x64xf32>
    %add3A_331 = arith.addf %dot_general3A_325, %dot_general3A_330 : vector<128x64xf32>
    %get3A_332 = arith.constant 0 : index
    %get3A_333 = arith.constant 0 : index
    %get3A_334 = vector.load %arg41[%get3A_332, %get3A_333] : memref<1x64xf32, #tpu.memory_space<vmem>>, vector<1x64xf32>
    %add3A_335 = vector.broadcast %get3A_334 : vector<1x64xf32> to vector<128x64xf32>
    %add3A_336 = arith.addf %add3A_331, %add3A_335 : vector<128x64xf32>
    %get3A_337 = arith.constant 0 : index
    %get3A_338 = arith.constant 0 : index
    %get3A_339 = vector.load %arg50[%get3A_337, %get3A_338] : memref<1x64xf32, #tpu.memory_space<vmem>>, vector<1x64xf32>
    %mul3A_340 = vector.broadcast %get3A_339 : vector<1x64xf32> to vector<128x64xf32>
    %mul3A_341 = arith.mulf %add3A_336, %mul3A_340 : vector<128x64xf32>
    %get3A_342 = arith.constant 0 : index
    %get3A_343 = arith.constant 0 : index
    %get3A_344 = vector.load %arg51[%get3A_342, %get3A_343] : memref<1x64xf32, #tpu.memory_space<vmem>>, vector<1x64xf32>
    %add3A_345 = vector.broadcast %get3A_344 : vector<1x64xf32> to vector<128x64xf32>
    %add3A_346 = arith.addf %mul3A_341, %add3A_345 : vector<128x64xf32>
    %max3A_347 = arith.constant 0.000000e+00 : f32
    %max3A_348 = vector.broadcast %max3A_347 : f32 to vector<128x64xf32>
    %max3A_349 = arith.maximumf %add3A_346, %max3A_348 : vector<128x64xf32>
    %get3A_350 = arith.constant 0 : index
    %get3A_351 = arith.constant 0 : index
    %get3A_352 = vector.load %arg42[%get3A_350, %get3A_351] : memref<64x16xf32, #tpu.memory_space<vmem>>, vector<64x16xf32>
    %dot_general3A_353 = arith.constant dense<0.000000e+00> : vector<128x16xf32>
    %dot_general3A_354 = tpu.matmul %max3A_349, %get3A_352, %dot_general3A_353 {dimension_numbers = #tpu.dot_dimension_numbers<[1], [0], [0], [1], [0, 0, 1, 1], [], []>, transpose_lhs_hint = false} : vector<128x64xf32>, vector<64x16xf32>, vector<128x16xf32> -> vector<128x16xf32>
    %get3A_355 = arith.constant 0 : index
    %get3A_356 = arith.constant 0 : index
    %get3A_357 = vector.load %arg43[%get3A_355, %get3A_356] : memref<1x16xf32, #tpu.memory_space<vmem>>, vector<1x16xf32>
    %add3A_358 = vector.broadcast %get3A_357 : vector<1x16xf32> to vector<128x16xf32>
    %add3A_359 = arith.addf %dot_general3A_354, %add3A_358 : vector<128x16xf32>
    %get3A_360 = arith.constant 0 : index
    %get3A_361 = arith.constant 0 : index
    %get3A_362 = vector.load %arg52[%get3A_360, %get3A_361] : memref<1x16xf32, #tpu.memory_space<vmem>>, vector<1x16xf32>
    %mul3A_363 = vector.broadcast %get3A_362 : vector<1x16xf32> to vector<128x16xf32>
    %mul3A_364 = arith.mulf %add3A_359, %mul3A_363 : vector<128x16xf32>
    %get3A_365 = arith.constant 0 : index
    %get3A_366 = arith.constant 0 : index
    %get3A_367 = vector.load %arg53[%get3A_365, %get3A_366] : memref<1x16xf32, #tpu.memory_space<vmem>>, vector<1x16xf32>
    %add3A_368 = vector.broadcast %get3A_367 : vector<1x16xf32> to vector<128x16xf32>
    %add3A_369 = arith.addf %mul3A_364, %add3A_368 : vector<128x16xf32>
    %max3A_370 = arith.constant 0.000000e+00 : f32
    %max3A_371 = vector.broadcast %max3A_370 : f32 to vector<128x16xf32>
    %max3A_372 = arith.maximumf %add3A_369, %max3A_371 : vector<128x16xf32>
    %get3A_373 = arith.constant 0 : index
    %get3A_374 = arith.constant 0 : index
    %get3A_375 = vector.load %arg44[%get3A_373, %get3A_374] : memref<1x16xf32, #tpu.memory_space<vmem>>, vector<1x16xf32>
    %mul3A_376 = vector.broadcast %get3A_375 : vector<1x16xf32> to vector<128x16xf32>
    %mul3A_377 = arith.mulf %max3A_372, %mul3A_376 : vector<128x16xf32>
    %reduce_sum3A_378 = arith.constant dense<0.000000e+00> : vector<128xf32>
    %reduce_sum3A_379 = vector.multi_reduction <add>, %mul3A_377, %reduce_sum3A_378 [1] : vector<128x16xf32> to vector<128xf32>
    %broadcast_in_dim3A_380 = vector.shape_cast %reduce_sum3A_379 : vector<128xf32> to vector<128x1xf32>
    %get3A_381 = arith.constant 0 : index
    %get3A_382 = arith.constant 0 : index
    %get3A_383 = vector.load %arg45[%get3A_381, %get3A_382] : memref<1x1xf32, #tpu.memory_space<vmem>>, vector<1x1xf32>
    %add3A_384 = vector.broadcast %get3A_383 : vector<1x1xf32> to vector<128x1xf32>
    %add3A_385 = arith.addf %broadcast_in_dim3A_380, %add3A_384 : vector<128x1xf32>
    %swap3A = arith.constant 0 : index
    %swap3A_386 = arith.constant 0 : index
    %swap3A_387 = vector.load %arg54[%swap3A, %swap3A_386] : memref<128x1xf32, #tpu.memory_space<vmem>>, vector<128x1xf32>
    tpu.vector_store %arg54[%swap3A, %swap3A_386], %add3A_385 {strides = array<i32>} : memref<128x1xf32, #tpu.memory_space<vmem>>, vector<128x1xf32>,
    return
  }
  func.func @transform_0(%arg0: i32) -> (i32, i32) {
    %c0_i32 = arith.constant 0 : i32
    %c0_i32_0 = arith.constant 0 : i32
    return %arg0, %c0_i32 : i32, i32
  }
  func.func @transform_1(%arg0: i32) -> (i32, i32) {
    %c0_i32 = arith.constant 0 : i32
    %c0_i32_0 = arith.constant 0 : i32
    return %arg0, %c0_i32 : i32, i32
  }
  func.func @transform_2(%arg0: i32) -> (i32, i32) {
    %c0_i32 = arith.constant 0 : i32
    %c0_i32_0 = arith.constant 0 : i32
    return %arg0, %c0_i32 : i32, i32
  }
  func.func @transform_3(%arg0: i32) -> (i32, i32) {
    %c0_i32 = arith.constant 0 : i32
    %c0_i32_0 = arith.constant 0 : i32
    return %arg0, %c0_i32 : i32, i32
  }
  func.func @transform_4(%arg0: i32) -> (i32, i32) {
    %c0_i32 = arith.constant 0 : i32
    %c0_i32_0 = arith.constant 0 : i32
    return %arg0, %c0_i32 : i32, i32
  }
  func.func @transform_5(%arg0: i32) -> (i32, i32) {
    %c0_i32 = arith.constant 0 : i32
    %c0_i32_0 = arith.constant 0 : i32
    return %arg0, %c0_i32 : i32, i32
  }
  func.func @transform_6(%arg0: i32) -> (i32, i32) {
    %c0_i32 = arith.constant 0 : i32
    %c0_i32_0 = arith.constant 0 : i32
    return %arg0, %c0_i32 : i32, i32
  }
  func.func @transform_7(%arg0: i32) -> (i32, i32) {
    %c0_i32 = arith.constant 0 : i32
    %c0_i32_0 = arith.constant 0 : i32
    %c0_i32_1 = arith.constant 0 : i32
    return %c0_i32, %c0_i32_0 : i32, i32
  }
  func.func @transform_8(%arg0: i32) -> (i32, i32) {
    %c0_i32 = arith.constant 0 : i32
    %c0_i32_0 = arith.constant 0 : i32
    %c0_i32_1 = arith.constant 0 : i32
    return %c0_i32, %c0_i32_0 : i32, i32
  }
  func.func @transform_9(%arg0: i32) -> (i32, i32) {
    %c0_i32 = arith.constant 0 : i32
    %c0_i32_0 = arith.constant 0 : i32
    %c0_i32_1 = arith.constant 0 : i32
    return %c0_i32, %c0_i32_0 : i32, i32
  }
  func.func @transform_10(%arg0: i32) -> (i32, i32) {
    %c0_i32 = arith.constant 0 : i32
    %c0_i32_0 = arith.constant 0 : i32
    %c0_i32_1 = arith.constant 0 : i32
    return %c0_i32, %c0_i32_0 : i32, i32
  }
  func.func @transform_11(%arg0: i32) -> (i32, i32) {
    %c0_i32 = arith.constant 0 : i32
    %c0_i32_0 = arith.constant 0 : i32
    %c0_i32_1 = arith.constant 0 : i32
    return %c0_i32, %c0_i32_0 : i32, i32
  }
  func.func @transform_12(%arg0: i32) -> (i32, i32) {
    %c0_i32 = arith.constant 0 : i32
    %c0_i32_0 = arith.constant 0 : i32
    %c0_i32_1 = arith.constant 0 : i32
    return %c0_i32, %c0_i32_0 : i32, i32
  }
  func.func @transform_13(%arg0: i32) -> (i32, i32) {
    %c0_i32 = arith.constant 0 : i32
    %c0_i32_0 = arith.constant 0 : i32
    %c0_i32_1 = arith.constant 0 : i32
    return %c0_i32, %c0_i32_0 : i32, i32
  }
  func.func @transform_14(%arg0: i32) -> (i32, i32) {
    %c0_i32 = arith.constant 0 : i32
    %c0_i32_0 = arith.constant 0 : i32
    %c0_i32_1 = arith.constant 0 : i32
    return %c0_i32, %c0_i32_0 : i32, i32
  }
  func.func @transform_15(%arg0: i32) -> (i32, i32) {
    %c0_i32 = arith.constant 0 : i32
    %c0_i32_0 = arith.constant 0 : i32
    %c0_i32_1 = arith.constant 0 : i32
    return %c0_i32, %c0_i32_0 : i32, i32
  }
  func.func @transform_16(%arg0: i32) -> (i32, i32) {
    %c0_i32 = arith.constant 0 : i32
    %c0_i32_0 = arith.constant 0 : i32
    %c0_i32_1 = arith.constant 0 : i32
    return %c0_i32, %c0_i32_0 : i32, i32
  }
  func.func @transform_17(%arg0: i32) -> (i32, i32) {
    %c0_i32 = arith.constant 0 : i32
    %c0_i32_0 = arith.constant 0 : i32
    %c0_i32_1 = arith.constant 0 : i32
    return %c0_i32, %c0_i32_0 : i32, i32
  }
  func.func @transform_18(%arg0: i32) -> (i32, i32) {
    %c0_i32 = arith.constant 0 : i32
    %c0_i32_0 = arith.constant 0 : i32
    %c0_i32_1 = arith.constant 0 : i32
    return %c0_i32, %c0_i32_0 : i32, i32
  }
  func.func @transform_19(%arg0: i32) -> (i32, i32) {
    %c0_i32 = arith.constant 0 : i32
    %c0_i32_0 = arith.constant 0 : i32
    %c0_i32_1 = arith.constant 0 : i32
    return %c0_i32, %c0_i32_0 : i32, i32
  }
  func.func @transform_20(%arg0: i32) -> (i32, i32) {
    %c0_i32 = arith.constant 0 : i32
    %c0_i32_0 = arith.constant 0 : i32
    %c0_i32_1 = arith.constant 0 : i32
    return %c0_i32, %c0_i32_0 : i32, i32
  }
  func.func @transform_21(%arg0: i32) -> (i32, i32) {
    %c0_i32 = arith.constant 0 : i32
    %c0_i32_0 = arith.constant 0 : i32
    %c0_i32_1 = arith.constant 0 : i32
    return %c0_i32, %c0_i32_0 : i32, i32
  }
  func.func @transform_22(%arg0: i32) -> (i32, i32) {
    %c0_i32 = arith.constant 0 : i32
    %c0_i32_0 = arith.constant 0 : i32
    %c0_i32_1 = arith.constant 0 : i32
    return %c0_i32, %c0_i32_0 : i32, i32
  }
  func.func @transform_23(%arg0: i32) -> (i32, i32) {
    %c0_i32 = arith.constant 0 : i32
    %c0_i32_0 = arith.constant 0 : i32
    %c0_i32_1 = arith.constant 0 : i32
    return %c0_i32, %c0_i32_0 : i32, i32
  }
  func.func @transform_24(%arg0: i32) -> (i32, i32) {
    %c0_i32 = arith.constant 0 : i32
    %c0_i32_0 = arith.constant 0 : i32
    %c0_i32_1 = arith.constant 0 : i32
    return %c0_i32, %c0_i32_0 : i32, i32
  }
  func.func @transform_25(%arg0: i32) -> (i32, i32) {
    %c0_i32 = arith.constant 0 : i32
    %c0_i32_0 = arith.constant 0 : i32
    %c0_i32_1 = arith.constant 0 : i32
    return %c0_i32, %c0_i32_0 : i32, i32
  }
  func.func @transform_26(%arg0: i32) -> (i32, i32) {
    %c0_i32 = arith.constant 0 : i32
    %c0_i32_0 = arith.constant 0 : i32
    %c0_i32_1 = arith.constant 0 : i32
    return %c0_i32, %c0_i32_0 : i32, i32
  }
  func.func @transform_27(%arg0: i32) -> (i32, i32) {
    %c0_i32 = arith.constant 0 : i32
    %c0_i32_0 = arith.constant 0 : i32
    %c0_i32_1 = arith.constant 0 : i32
    return %c0_i32, %c0_i32_0 : i32, i32
  }
  func.func @transform_28(%arg0: i32) -> (i32, i32) {
    %c0_i32 = arith.constant 0 : i32
    %c0_i32_0 = arith.constant 0 : i32
    %c0_i32_1 = arith.constant 0 : i32
    return %c0_i32, %c0_i32_0 : i32, i32
  }
  func.func @transform_29(%arg0: i32) -> (i32, i32) {
    %c0_i32 = arith.constant 0 : i32
    %c0_i32_0 = arith.constant 0 : i32
    %c0_i32_1 = arith.constant 0 : i32
    return %c0_i32, %c0_i32_0 : i32, i32
  }
  func.func @transform_30(%arg0: i32) -> (i32, i32) {
    %c0_i32 = arith.constant 0 : i32
    %c0_i32_0 = arith.constant 0 : i32
    %c0_i32_1 = arith.constant 0 : i32
    return %c0_i32, %c0_i32_0 : i32, i32
  }
  func.func @transform_31(%arg0: i32) -> (i32, i32) {
    %c0_i32 = arith.constant 0 : i32
    %c0_i32_0 = arith.constant 0 : i32
    %c0_i32_1 = arith.constant 0 : i32
    return %c0_i32, %c0_i32_0 : i32, i32
  }
  func.func @transform_32(%arg0: i32) -> (i32, i32) {
    %c0_i32 = arith.constant 0 : i32
    %c0_i32_0 = arith.constant 0 : i32
    %c0_i32_1 = arith.constant 0 : i32
    return %c0_i32, %c0_i32_0 : i32, i32
  }
  func.func @transform_33(%arg0: i32) -> (i32, i32) {
    %c0_i32 = arith.constant 0 : i32
    %c0_i32_0 = arith.constant 0 : i32
    %c0_i32_1 = arith.constant 0 : i32
    return %c0_i32, %c0_i32_0 : i32, i32
  }
  func.func @transform_34(%arg0: i32) -> (i32, i32) {
    %c0_i32 = arith.constant 0 : i32
    %c0_i32_0 = arith.constant 0 : i32
    %c0_i32_1 = arith.constant 0 : i32
    return %c0_i32, %c0_i32_0 : i32, i32
  }
  func.func @transform_35(%arg0: i32) -> (i32, i32) {
    %c0_i32 = arith.constant 0 : i32
    %c0_i32_0 = arith.constant 0 : i32
    %c0_i32_1 = arith.constant 0 : i32
    return %c0_i32, %c0_i32_0 : i32, i32
  }
  func.func @transform_36(%arg0: i32) -> (i32, i32) {
    %c0_i32 = arith.constant 0 : i32
    %c0_i32_0 = arith.constant 0 : i32
    %c0_i32_1 = arith.constant 0 : i32
    return %c0_i32, %c0_i32_0 : i32, i32
  }
  func.func @transform_37(%arg0: i32) -> (i32, i32) {
    %c0_i32 = arith.constant 0 : i32
    %c0_i32_0 = arith.constant 0 : i32
    %c0_i32_1 = arith.constant 0 : i32
    return %c0_i32, %c0_i32_0 : i32, i32
  }
  func.func @transform_38(%arg0: i32) -> (i32, i32) {
    %c0_i32 = arith.constant 0 : i32
    %c0_i32_0 = arith.constant 0 : i32
    %c0_i32_1 = arith.constant 0 : i32
    return %c0_i32, %c0_i32_0 : i32, i32
  }
  func.func @transform_39(%arg0: i32) -> (i32, i32) {
    %c0_i32 = arith.constant 0 : i32
    %c0_i32_0 = arith.constant 0 : i32
    %c0_i32_1 = arith.constant 0 : i32
    return %c0_i32, %c0_i32_0 : i32, i32
  }
  func.func @transform_40(%arg0: i32) -> (i32, i32) {
    %c0_i32 = arith.constant 0 : i32
    %c0_i32_0 = arith.constant 0 : i32
    %c0_i32_1 = arith.constant 0 : i32
    return %c0_i32, %c0_i32_0 : i32, i32
  }
  func.func @transform_41(%arg0: i32) -> (i32, i32) {
    %c0_i32 = arith.constant 0 : i32
    %c0_i32_0 = arith.constant 0 : i32
    %c0_i32_1 = arith.constant 0 : i32
    return %c0_i32, %c0_i32_0 : i32, i32
  }
  func.func @transform_42(%arg0: i32) -> (i32, i32) {
    %c0_i32 = arith.constant 0 : i32
    %c0_i32_0 = arith.constant 0 : i32
    %c0_i32_1 = arith.constant 0 : i32
    return %c0_i32, %c0_i32_0 : i32, i32
  }
  func.func @transform_43(%arg0: i32) -> (i32, i32) {
    %c0_i32 = arith.constant 0 : i32
    %c0_i32_0 = arith.constant 0 : i32
    %c0_i32_1 = arith.constant 0 : i32
    return %c0_i32, %c0_i32_0 : i32, i32
  }
  func.func @transform_44(%arg0: i32) -> (i32, i32) {
    %c0_i32 = arith.constant 0 : i32
    %c0_i32_0 = arith.constant 0 : i32
    %c0_i32_1 = arith.constant 0 : i32
    return %c0_i32, %c0_i32_0 : i32, i32
  }
  func.func @transform_45(%arg0: i32) -> (i32, i32) {
    %c0_i32 = arith.constant 0 : i32
    %c0_i32_0 = arith.constant 0 : i32
    %c0_i32_1 = arith.constant 0 : i32
    return %c0_i32, %c0_i32_0 : i32, i32
  }
  func.func @transform_46(%arg0: i32) -> (i32, i32) {
    %c0_i32 = arith.constant 0 : i32
    %c0_i32_0 = arith.constant 0 : i32
    %c0_i32_1 = arith.constant 0 : i32
    return %c0_i32, %c0_i32_0 : i32, i32
  }
  func.func @transform_47(%arg0: i32) -> (i32, i32) {
    %c0_i32 = arith.constant 0 : i32
    %c0_i32_0 = arith.constant 0 : i32
    %c0_i32_1 = arith.constant 0 : i32
    return %c0_i32, %c0_i32_0 : i32, i32
  }
  func.func @transform_48(%arg0: i32) -> (i32, i32) {
    %c0_i32 = arith.constant 0 : i32
    %c0_i32_0 = arith.constant 0 : i32
    %c0_i32_1 = arith.constant 0 : i32
    return %c0_i32, %c0_i32_0 : i32, i32
  }
  func.func @transform_49(%arg0: i32) -> (i32, i32) {
    %c0_i32 = arith.constant 0 : i32
    %c0_i32_0 = arith.constant 0 : i32
    %c0_i32_1 = arith.constant 0 : i32
    return %c0_i32, %c0_i32_0 : i32, i32
  }
  func.func @transform_50(%arg0: i32) -> (i32, i32) {
    %c0_i32 = arith.constant 0 : i32
    %c0_i32_0 = arith.constant 0 : i32
    %c0_i32_1 = arith.constant 0 : i32
    return %c0_i32, %c0_i32_0 : i32, i32
  }
  func.func @transform_51(%arg0: i32) -> (i32, i32) {
    %c0_i32 = arith.constant 0 : i32
    %c0_i32_0 = arith.constant 0 : i32
    %c0_i32_1 = arith.constant 0 : i32
    return %c0_i32, %c0_i32_0 : i32, i32
  }
  func.func @transform_52(%arg0: i32) -> (i32, i32) {
    %c0_i32 = arith.constant 0 : i32
    %c0_i32_0 = arith.constant 0 : i32
    %c0_i32_1 = arith.constant 0 : i32
    return %c0_i32, %c0_i32_0 : i32, i32
  }
  func.func @transform_53(%arg0: i32) -> (i32, i32) {
    %c0_i32 = arith.constant 0 : i32
    %c0_i32_0 = arith.constant 0 : i32
    return %arg0, %c0_i32 : i32, i32
  }
}

</mosaic_0001>

<sc_bundles>
// kernel: kernel.4.cloned.1.call-start
scs
__scs_entry_jumppad:
0x0: {  	(pc) =	sbr.rel $0x88, $3  }
0x1: {  	(tag) =	ssettag $0x0;
	lr =	simm.s32 $0x1  }
0x2: {  	[smem:$0x3F5E] =	sst lr;
	_ =	strace $0xD0000000  }
0x3: {  	_ = 	snop  }
0x4: {  	_ = 	snop  }
0x5: {  	_ = 	snop  }
0x6: {  	_ = 	snop  }
0x7: {  	_ = 	snop  }
__scs_overlays_trampoline_lowered:
0x8: {  	[smem:$0x3F6D] =	sst s0  }
0x9: {  	[smem:$0x3F6E] =	sst s1  }
0xa: {  	[smem:$0x3F6F] =	sst s2  }
0xb: {  	[smem:$0x3F70] =	sst s3  }
0xc: {  	[smem:$0x3F71] =	sst s4  }
0xd: {  	[smem:$0x3F72] =	sst s5  }
0xe: {  	[smem:$0x3F73] =	sst s6  }
0xf: {  	[smem:$0x3F74] =	sst s7  }
0x10: {  	[smem:$0x3F75] =	sst s8  }
0x11: {  	[smem:$0x3F76] =	sst s9;
	s0 =	simm.s32 @!p0 $0x0  }
0x12: {  	s1 =	sld [smem:$0x3F5C];
	s0 =	simm.s32 @p0 $0x1  }
0x13: {  	[smem:$0x3F77] =	sst s0;
	s0 =	simm.s32 @!p1 $0x0  }
0x14: {  	s2 =	sld [smem:$0x3F5B];
	s0 =	simm.s32 @p1 $0x1  }
0x15: {  	[smem:$0x3F78] =	sst s0;
	s0 =	simm.s32 @!p2 $0x0  }
0x16: {  	s3 =	sld [smem:$0x3FDB];
	s0 =	simm.s32 @p2 $0x1  }
0x17: {  	s4 =	simm.s32 $0x1BF5;
	[smem:$0x3F7A] =	sst s0  }
0x18: {  	s0 =	sld [smem:$0x3F5D];
	_ =	swait.ge [sflag:s4], $0x0  }
0x19: {  	s7 =	sld [smem:$0x3F5E]  }
0x1a: {  	s8 =	sadd.s32 $0xFFFFE003, lr  }
0x1b: {  	s9 =	sadd.s32 $0xFFFFFEF7, lr;
	s5 =	simm.s32 $0xFFFFFFFF;
	p2 =	slt.u32 s8, $0xFFFFF086  }
0x1c: {  	p1 =	slt.u32 s9, $0xF7A;
	s5 =	simm.s32 @!p2 $0x0  }
0x1d: {  	s5 =	simm.s32 @p1 $0x1;
	p0 =	seq.s32 s7, s2  }
0x1e: {  	s7 =	smul.u32 @!p0 $0xF7A, s2;
	p2 =	seq.s32 @!p0 s5, $0x0  }
0x1f: {  	s9 =	smul.u32 $0xF7A, s1;
	s8 =	simm.s32 @!p0 $0x1BF5;
	p2 =	por !p2, p0  }
0x20: {  	[sflag:s8] =	ssyncset.s32 @!p0 $0xFFFFF086;
	s6 =	sadd.s32 @!p0 s3, s7;
	s7 =	simm.s32 @!p0 $0x108  }
0x21: {  	s3 =	sadd.s32 s3, s9;
	s6 =	sadd.s32 @!p0 $0x88, s6;
	s7 =	simm.s32 @p2 $0x1082  }
0x22: {  	[simem:s7], [sflag:s8] =	dma.local @!p0 [hbm:s6], $0xF7A  }
0x23: {  	s9 =	sor.u32 $0xD0000000, s2;
	s6 =	simm.s32 $0x108;
	_ =	swait.ge @!p0 [sflag:s8], $0x0  }
0x24: {  	s3 =	sadd.s32 $0x88, s3;
	s6 =	simm.s32 @!p1 $0x1082;
	[sflag:s4] =	ssyncset.s32 $0xFFFFF086  }
0x25: {  	[simem:s6], [sflag:s4] =	dma.local [hbm:s3], $0xF7A  }
0x26: {  	[smem:$0x3F5E] =	sst s1;
	(tag) =	ssettag s2;
	_ =	strace s9  }
0x27: {  	s1 =	sld [smem:$0x3F6E]  }
0x28: {  	s2 =	sld [smem:$0x3F6F]  }
0x29: {  	s4 =	sld [smem:$0x3F71]  }
0x2a: {  	p0 =	seq.s32 s5, $0x0;
	s5 =	sld [smem:$0x3F72]  }
0x2b: {  	s6 =	sld [smem:$0x3F73]  }
0x2c: {  	s7 =	sld [smem:$0x3F74]  }
0x2d: {  	s3 =	simm.s32 $0x108;
	s8 =	sld [smem:$0x3F75]  }
0x2e: {  	s3 =	simm.s32 @!p0 $0x1082;
	s9 =	sld [smem:$0x3F76]  }
0x2f: {  	lr =	sadd.s32 s0, s3;
	s0 =	sld [smem:$0x3F6D]  }
0x30: {  	s3 =	sld [smem:$0x3F70]  }
0x31: {  	[smem:$0x3F79] =	sst s10  }
0x32: {  	s10 =	sld [smem:$0x3F77];
	_ =	sdelay $0x3  }
0x33: {  	p0 =	seq.s32 s10, $0x1;
	s10 =	sld [smem:$0x3F79];
	_ =	sdelay $0x3  }
0x34: {  	[smem:$0x3F79] =	sst s10  }
0x35: {  	s10 =	sld [smem:$0x3F78];
	_ =	sdelay $0x3  }
0x36: {  	p1 =	seq.s32 s10, $0x1;
	s10 =	sld [smem:$0x3F79];
	_ =	sdelay $0x3  }
0x37: {  	[smem:$0x3F79] =	sst s10  }
0x38: {  	s10 =	sld [smem:$0x3F7A]  }
0x39: {  	_ = 	snop;
	(pc) =	sbr.ind lr, $3  }
0x3a: {  	_ = 	snop  }
0x3b: {  	_ = 	snop  }
0x3c: {  	p2 =	seq.s32 s10, $0x1;
	s10 =	sld [smem:$0x3F79]  }
0x3d: {  	_ =	shalt  }
0x3e: {  	_ =	shalt  }
0x3f: {  	_ =	shalt  }
0x40: {  	_ =	shalt  }
0x41: {  	_ =	shalt  }
0x42: {  	_ =	shalt  }
0x43: {  	_ =	shalt  }
0x44: {  	_ =	shalt  }
0x45: {  	_ =	shalt  }
0x46: {  	_ =	shalt  }
0x47: {  	_ =	shalt  }
0x48: {  	_ =	shalt  }
0x49: {  	_ =	shalt  }
0x4a: {  	_ =	shalt  }
0x4b: {  	_ =	shalt  }
0x4c: {  	_ =	shalt  }
0x4d: {  	_ =	shalt  }
0x4e: {  	_ =	shalt  }
0x4f: {  	_ =	shalt  }
0x50: {  	_ =	shalt  }
0x51: {  	_ =	shalt  }
0x52: {  	_ =	shalt  }
0x53: {  	_ =	shalt  }
0x54: {  	_ =	shalt  }
0x55: {  	_ =	shalt  }
0x56: {  	_ =	shalt  }
0x57: {  	_ =	shalt  }
0x58: {  	_ =	shalt  }
0x59: {  	_ =	shalt  }
0x5a: {  	_ =	shalt  }
0x5b: {  	_ =	shalt  }
0x5c: {  	_ =	shalt  }
0x5d: {  	_ =	shalt  }
0x5e: {  	_ =	shalt  }
0x5f: {  	_ =	shalt  }
0x60: {  	_ =	shalt  }
0x61: {  	_ =	shalt  }
0x62: {  	_ =	shalt  }
0x63: {  	_ =	shalt  }
0x64: {  	_ =	shalt  }
0x65: {  	_ =	shalt  }
0x66: {  	_ =	shalt  }
0x67: {  	_ =	shalt  }
0x68: {  	_ =	shalt  }
0x69: {  	_ =	shalt  }
0x6a: {  	_ =	shalt  }
0x6b: {  	_ =	shalt  }
0x6c: {  	_ =	shalt  }
0x6d: {  	_ =	shalt  }
0x6e: {  	_ =	shalt  }
0x6f: {  	_ =	shalt  }
0x70: {  	_ =	shalt  }
0x71: {  	_ =	shalt  }
0x72: {  	_ =	shalt  }
0x73: {  	_ =	shalt  }
0x74: {  	_ =	shalt  }
0x75: {  	_ =	shalt  }
0x76: {  	_ =	shalt  }
0x77: {  	_ =	shalt  }
0x78: {  	_ =	shalt  }
0x79: {  	_ =	shalt  }
0x7a: {  	_ =	shalt  }
0x7b: {  	_ =	shalt  }
0x7c: {  	_ =	shalt  }
0x7d: {  	_ =	shalt  }
0x7e: {  	_ =	shalt  }
0x7f: {  	_ =	shalt  }
0x80: {  	_ =	shalt  }
0x81: {  	_ =	shalt  }
0x82: {  	_ =	shalt  }
0x83: {  	_ =	shalt  }
0x84: {  	_ =	shalt  }
0x85: {  	_ =	shalt  }
0x86: {  	_ =	shalt  }
0x87: {  	_ =	shalt  }
.Lfunc_end0:
.L_simem_size_0:
called_computation_lowered:
.L_overlay_start_0:
0x88: {  	s2 =	sld [smem:$0x3FD9]  }
0x89: {  	s3 =	sld [smem:$0x3FFE];
	_ =	sdelay $0x1  }
0x8a: {  	s1 =	srdreg.scid  }
0x8b: {  	s0 =	sand.u32 $0x1, s1  }
0x8c: {  	s17 =	sshll.u32 s0, $0xA;
	s2 =	sadd.s32 s3, s2  }
0x8d: {  	s2 =	sadd.s32 s2, s17  }
0x8e: {  	[smem:$0x3F85] =	sst s2  }
0x8f: {  	_ = 	snop  }
0x90: {  	s2 =	sld [smem:$0x3FC9]  }
0x91: {  	s18 =	sld [smem:$0x3FC8];
	(tm) =	ssettm $0x1  }
0x92: {  	s4 =	sld [smem:$0x3FFB];
	_ =	sdelay $0x3  }
0x93: {  	_ =	strace s4  }
0x94: {  	s4 =	sld [smem:$0x3FFC];
	_ =	sdelay $0x3  }
0x95: {  	_ =	strace s4  }
0x96: {  	s4 =	sld [smem:$0x3FFD];
	_ =	sdelay $0x3  }
0x97: {  	_ =	strace s4  }
0x98: {  	_ =	strace $0x8FFFFFFF  }
0x99: {  	s19 =	sld [smem:$0x3FDB];
	_ =	sdelay $0x1  }
0x9a: {  	s5 =	simm.s32 $_scs_section_size  }
0x9b: {  	s6 =	simm.s32 $_size__tile_overlayer_lowered;
	s7 =	simm.s32 $_tile_overlayer_lowered  }
0x9c: {  	s22 =	simm.s32 $0x1BFF;
	s21 =	sshll.u32 s7, $0x1;
	s4 =	sadd.s32 s5, s19  }
0x9d: {  	s8 =	simm.s32 $0x0;
	s20 =	sshll.u32 s6, $0x1;
	s6 =	sadd.s32 s21, s4  }
0x9e: {  	[timem:s8], [sflag:s22] =	dma.local [hbm:s6], s20  }
0x9f: {  	_ =	swait.ge [sflag:s22], s20  }
0xa0: {  	s5 =	ssub.s32 $0x0, s20;
	[sflag:s22] =	ssyncset.done $0x0  }
0xa1: {  	[sflag:s22] =	ssyncadd.s32 s5;
	_ =	sdelay $0x1  }
0xa2: {  	s23 =	simm.s32 $0x1B8B  }
0xa3: {  	_ =	swait.ge [sflag:s23], $0x1  }
0xa4: {  	[sflag:s23] =	ssyncset.done $0x0  }
0xa5: {  	s25 =	simm.s32 $0x1B8E;
	s24 =	sld [smem:$0x3FFE];
	[sflag:s23] =	ssyncadd.s32 $0xFFFFFFFF  }
0xa6: {  	s26 =	simm.s32 $execute0_lowered;
	[smem:$0x3FD2] =	sst s25  }
0xa7: {  	s6 =	sshll.u32 s26, $0x1;
	_ =	strace $0x80000046;
	[dreg:$0x1] =	wrdreg $0xFFFFFFFF  }
0xa8: {  	s28 =	simm.s32 $_size_execute0_lowered;
	s4 =	sadd.s32 s4, s6;
	[dreg:$0x0] =	wrdreg $0x0  }
0xa9: {  	s6 =	sshll.u32 s28, $0x1;
	[dreg:$0x2] =	wrdreg s4  }
0xaa: {  	[dreg:$0x3] =	wrdreg s6  }
0xab: {  	[dreg:$0x4] =	wrdreg $0xC0  }
0xac: {  	_ =	task [dreg:s8], $0x5FFFF  }
0xad: {  	[dreg:$0x1] =	wrdreg $0xFFFFFFFF  }
0xae: {  	[dreg:$0x0] =	wrdreg $0x60  }
0xaf: {  	[dreg:$0x2] =	wrdreg s24  }
0xb0: {  	[dreg:$0x3] =	wrdreg s2  }
0xb1: {  	[dreg:$0x4] =	wrdreg s18  }
0xb2: {  	[dreg:$0x5] =	wrdreg $0x9  }
0xb3: {  	_ =	task.clear_ibuf [dreg:s8], $0x6FFFF;
	_ =	strace $0x90000046  }
0xb4: {  	s29 =	simm.s32 $0x9;
	_ =	strace $0x80000048  }
0xb5: {  	_ =	swait.ge [sflag:s29], $0x1  }
0xb6: {  	[sflag:s29] =	ssyncadd.s32 $0xFFFFFFFF  }
0xb7: {  	_ =	strace $0x90000048  }
0xb8: {  	_ =	sfence  }
0xb9: {  	s30 =	sld [smem:$0x0];
	_ =	sdelay $0x2  }
0xba: {  	s31 =	sshll.u32 s1, $0xD;
	s1 =	sshrl.u32 s1, $0x2  }
0xbb: {  	s3 =	sand.u32 $0x4000, s31;
	s1 =	sadd.s32 s1, s30  }
0xbc: {  	s0 =	sor.u32 s3, s0;
	s1 =	sshll.u32 s1, $0x11  }
0xbd: {  	s0 =	sor.u32 s1, s0  }
0xbe: {  	s0 =	sadd.s32 $0x8F2B, s0  }
0xbf: {  	[sflag:s0] =	ssyncadd.remote.s32 $0x1  }
0xc0: {  	_ =	sfence.sel $0xFFFF  }
0xc1: {  	[dreg:$0x0] =	wrdreg $0xFFFFFFFF;
	(pc) =	sbr.abs _section_cstart, $3  }
0xc2: {  	[dreg:$0x1] =	wrdreg $0xFFFFFFFF  }
0xc3: {  	_ =	task.clear_ibuf [dreg:s8], $0x2FFFF;
	_ =	strace $0x9FFFFFFF  }
0xc4: {  	(tm) =	ssettm $0x7FFFFFFF  }
0xc5: {  	_ =	shalt  }
tec
execute0_lowered:
.L_overlay_start_1:
0x0: {  	(tag) =	ssettag $0x1  }
0x1: {  	s1 =	srdreg.scid;
	s0 =	stileid.u32  }
0x2: {  	s18 =	rddreg [dreg:$0x0];
	s20 =	sand.u32 $0x1, s1;
	s29 =	sshll.u32 s0, $0x1  }
0x3: {  	s14 =	rddreg [dreg:$0x1];
	s21 =	sor.u32 s20, s29  }
0x4: {  	s19 =	rddreg [dreg:$0x2];
	s3 =	smul.u32 $0xC8, s21  }
0x5: {  	s2 =	simm.s32 $0x0;
	s1 =	rddreg [dreg:$0x3]  }
0x6: {  	[smem:$0x7FF] =	sst s2;
	s11 =	sadd.s32 s3, s18  }
0x7: {  	_ =	strace $0x80000047;
	s3 =	simm.s32 $0x2;
	s4 =	sadd.s32 $0xB800, s11  }
0x8: {  	[tilespmem:s2], [sflag:$0x2] =	stream.linear.gather [hbm4b:s4+s2], $0x640, $0x38;
	[tilespmem:$0x19E60] =	vst v63  }
0x9: {  	_ =	swait.ge [sflag:s3], $0x640  }
0xa: {  	s6 =	simm.s32 $0x640;
	s7 =	simm.s32 $0x1;
	[sflag:s3] =	ssyncset.done $0x0  }
0xb: {  	s5 =	sadd.s32 $0x253E00, s18;
	s8 =	smul.u32 $0x3200, s21;
	[sflag:s3] =	ssyncadd.s32 $0xFFFFF9C0  }
0xc: {  	[tilespmem:s6], [sflag:$0x1] =	stream.indirect.gather [hbm4b:s5+s6], $0x40, s2, s6, $0xb8;
	[tilespmem:$0x19E60] =	vst v63  }
0xd: {  	_ =	swait.ge [sflag:s7], $0x19000  }
0xe: {  	s13 =	sadd.s32 s8, s18;
	[sflag:s7] =	ssyncset.done $0x0  }
0xf: {  	s8 =	sadd.s32 $0xD6C00, s13;
	[sflag:s7] =	ssyncadd.s32 $0xFFFE7000  }
0x10: {  	[hbm4b:s8+s2] =	stream.linear.scatter [tilespmem:s6], [sflag:$0x2], $0x19000, $0x38;
	[tilespmem:$0x19E60] =	vst v63  }
0x11: {  	_ =	swait.ge [sflag:s3], $0x19000  }
0x12: {  	[sflag:s3] =	ssyncset.done $0x0  }
0x13: {  	s9 =	sadd.s32 $0x9E00, s11;
	[sflag:s3] =	ssyncadd.s32 $0xFFFE7000  }
0x14: {  	[tilespmem:s2], [sflag:$0x2] =	stream.linear.gather [hbm4b:s9+s2], $0x640, $0x38;
	[tilespmem:$0x19E60] =	vst v63  }
0x15: {  	_ =	swait.ge [sflag:s3], $0x640  }
0x16: {  	[sflag:s3] =	ssyncset.done $0x0  }
0x17: {  	[sflag:s3] =	ssyncadd.s32 $0xFFFFF9C0  }
0x18: {  	[tilespmem:s6], [sflag:$0x1] =	stream.indirect.gather [hbm4b:s5+s6], $0x40, s2, s6, $0xb8;
	[tilespmem:$0x19E60] =	vst v63  }
0x19: {  	_ =	swait.ge [sflag:s7], $0x19000  }
0x1a: {  	[sflag:s7] =	ssyncset.done $0x0  }
0x1b: {  	s10 =	sadd.s32 $0xEC00, s13;
	[sflag:s7] =	ssyncadd.s32 $0xFFFE7000  }
0x1c: {  	[hbm4b:s10+s2] =	stream.linear.scatter [tilespmem:s6], [sflag:$0x2], $0x19000, $0x38;
	[tilespmem:$0x19E60] =	vst v63  }
0x1d: {  	_ =	swait.ge [sflag:s3], $0x19000  }
0x1e: {  	[sflag:s3] =	ssyncset.done $0x0  }
0x1f: {  	s11 =	sadd.s32 $0xD200, s11;
	[sflag:s3] =	ssyncadd.s32 $0xFFFE7000  }
0x20: {  	[tilespmem:s2], [sflag:$0x2] =	stream.linear.gather [hbm4b:s11+s2], $0x640, $0x38;
	[tilespmem:$0x19E60] =	vst v63  }
0x21: {  	_ =	swait.ge [sflag:s3], $0x640  }
0x22: {  	[sflag:s3] =	ssyncset.done $0x0  }
0x23: {  	s12 =	sadd.s32 $0x190800, s18;
	[sflag:s3] =	ssyncadd.s32 $0xFFFFF9C0  }
0x24: {  	[tilespmem:s6], [sflag:$0x1] =	stream.indirect.gather [hbm4b:s12+s6], $0x40, s2, s6, $0xb8;
	[tilespmem:$0x19E60] =	vst v63  }
0x25: {  	_ =	swait.ge [sflag:s7], $0x19000  }
0x26: {  	[sflag:s7] =	ssyncset.done $0x0  }
0x27: {  	s13 =	sadd.s32 $0x72C00, s13;
	[sflag:s7] =	ssyncadd.s32 $0xFFFE7000  }
0x28: {  	[hbm4b:s13+s2] =	stream.linear.scatter [tilespmem:s6], [sflag:$0x2], $0x19000, $0x38;
	[tilespmem:$0x19E60] =	vst v63  }
0x29: {  	_ =	swait.ge [sflag:s3], $0x19000  }
0x2a: {  	s22 =	sshll.u32 s21, $0x2;
	[sflag:s3] =	ssyncset.done $0x0  }
0x2b: {  	s15 =	simm.s32 $0x19640;
	s14 =	sadd.s32 s14, s22;
	[sflag:s3] =	ssyncadd.s32 $0xFFFE7000  }
0x2c: {  	[tilespmem:s15], [sflag:$0x2] =	stream.linear.gather [hbm4b:s14+s2], $0x20, $0x38;
	[tilespmem:$0x19E60] =	vst v63  }
0x2d: {  	_ =	swait.ge [sflag:s3], $0x20  }
0x2e: {  	[sflag:s3] =	ssyncset.done $0x0  }
0x2f: {  	s16 =	simm.s32 $0x20;
	s17 =	simm.s32 $0x19660;
	[sflag:s3] =	ssyncadd.s32 $0xFFFFFFE0  }
0x30: {  	[tilespmem:s17], [sflag:$0x1] =	stream.indirect.gather [hbm4b:s5+s16], $0x40, s15, s16, $0xb8;
	[tilespmem:$0x19E60] =	vst v63  }
0x31: {  	s21 =	sshll.u32 s21, $0x8;
	_ =	swait.ge [sflag:s7], $0x800  }
0x32: {  	s21 =	sadd.s32 s21, s18;
	[sflag:s7] =	ssyncset.done $0x0  }
0x33: {  	s18 =	sadd.s32 $0x13AC00, s21;
	[sflag:s7] =	ssyncadd.s32 $0xFFFFF800  }
0x34: {  	[hbm4b:s18+s2] =	stream.linear.scatter [tilespmem:s17], [sflag:$0x2], $0x800, $0x38;
	[tilespmem:$0x19E60] =	vst v63  }
0x35: {  	_ =	swait.ge [sflag:s3], $0x800  }
0x36: {  	[sflag:s3] =	ssyncset.done $0x0  }
0x37: {  	s20 =	ssub.s32 $0x2, s20;
	s19 =	sadd.s32 s19, s22;
	[sflag:s3] =	ssyncadd.s32 $0xFFFFF800  }
0x38: {  	[tilespmem:s15], [sflag:$0x2] =	stream.linear.gather [hbm4b:s19+s2], $0x20, $0x38;
	[tilespmem:$0x19E60] =	vst v63  }
0x39: {  	s30 =	sshrl.u32 s20, $0x1;
	_ =	swait.ge [sflag:s3], $0x20  }
0x3a: {  	s22 =	ssub.s32 s20, s30;
	[sflag:s3] =	ssyncset.done $0x0  }
0x3b: {  	s31 =	smax.u32 s22, $0x1;
	[sflag:s3] =	ssyncadd.s32 $0xFFFFFFE0  }
0x3c: {  	[tilespmem:s17], [sflag:$0x1] =	stream.indirect.gather [hbm4b:s12+s16], $0x40, s15, s16, $0xb8;
	[tilespmem:$0x19E60] =	vst v63  }
0x3d: {  	p0 =	sne.s32 s31, $0x1;
	_ =	swait.ge [sflag:s7], $0x800  }
.Ltmp0:
0x3e: {  	[sflag:s7] =	ssyncset.done $0x0;
	(pc) =	sbr.rel @!p0 .LBB2_2-.Ltmp0, $4  }
0x3f: {  	s20 =	sadd.s32 $0x13CC00, s21;
	[sflag:s7] =	ssyncadd.s32 $0xFFFFF800  }
0x40: {  	[hbm4b:s20+s2] =	stream.linear.scatter [tilespmem:s17], [sflag:$0x2], $0x800, $0x38;
	[tilespmem:$0x19E60] =	vst v63  }
0x41: {  	_ =	swait.ge [sflag:s3], $0x800  }
0x42: {  	s21 =	sadd.s32 $0xFFFFFFFF, s31;
	[sflag:s3] =	ssyncset.done $0x0  }
.LBB2_1:
0x43: {  	p0 =	sne.s32 s21, $0x1;
	s21 =	sadd.s32 $0xFFFFFFFF, s21;
	[sflag:s3] =	ssyncadd.s32 $0xFFFFF800  }
0x44: {  	[tilespmem:s2], [sflag:$0x2] =	stream.linear.gather [hbm4b:s4+s2], $0x640, $0x38;
	[tilespmem:$0x19E60] =	vst v63  }
0x45: {  	_ =	swait.ge [sflag:s3], $0x640  }
0x46: {  	[sflag:s3] =	ssyncset.done $0x0  }
0x47: {  	[sflag:s3] =	ssyncadd.s32 $0xFFFFF9C0  }
0x48: {  	[tilespmem:s6], [sflag:$0x1] =	stream.indirect.gather [hbm4b:s5+s6], $0x40, s2, s6, $0xb8;
	[tilespmem:$0x19E60] =	vst v63  }
0x49: {  	_ =	swait.ge [sflag:s7], $0x19000  }
0x4a: {  	[sflag:s7] =	ssyncset.done $0x0  }
0x4b: {  	[sflag:s7] =	ssyncadd.s32 $0xFFFE7000  }
0x4c: {  	[hbm4b:s8+s2] =	stream.linear.scatter [tilespmem:s6], [sflag:$0x2], $0x19000, $0x38;
	[tilespmem:$0x19E60] =	vst v63  }
0x4d: {  	_ =	swait.ge [sflag:s3], $0x19000  }
0x4e: {  	[sflag:s3] =	ssyncset.done $0x0  }
0x4f: {  	[sflag:s3] =	ssyncadd.s32 $0xFFFE7000  }
0x50: {  	[tilespmem:s2], [sflag:$0x2] =	stream.linear.gather [hbm4b:s9+s2], $0x640, $0x38;
	[tilespmem:$0x19E60] =	vst v63  }
0x51: {  	_ =	swait.ge [sflag:s3], $0x640  }
0x52: {  	[sflag:s3] =	ssyncset.done $0x0  }
0x53: {  	[sflag:s3] =	ssyncadd.s32 $0xFFFFF9C0  }
0x54: {  	[tilespmem:s6], [sflag:$0x1] =	stream.indirect.gather [hbm4b:s5+s6], $0x40, s2, s6, $0xb8;
	[tilespmem:$0x19E60] =	vst v63  }
0x55: {  	_ =	swait.ge [sflag:s7], $0x19000  }
0x56: {  	[sflag:s7] =	ssyncset.done $0x0  }
0x57: {  	[sflag:s7] =	ssyncadd.s32 $0xFFFE7000  }
0x58: {  	[hbm4b:s10+s2] =	stream.linear.scatter [tilespmem:s6], [sflag:$0x2], $0x19000, $0x38;
	[tilespmem:$0x19E60] =	vst v63  }
0x59: {  	_ =	swait.ge [sflag:s3], $0x19000  }
0x5a: {  	[sflag:s3] =	ssyncset.done $0x0  }
0x5b: {  	[sflag:s3] =	ssyncadd.s32 $0xFFFE7000  }
0x5c: {  	[tilespmem:s2], [sflag:$0x2] =	stream.linear.gather [hbm4b:s11+s2], $0x640, $0x38;
	[tilespmem:$0x19E60] =	vst v63  }
0x5d: {  	_ =	swait.ge [sflag:s3], $0x640  }
0x5e: {  	[sflag:s3] =	ssyncset.done $0x0  }
0x5f: {  	[sflag:s3] =	ssyncadd.s32 $0xFFFFF9C0  }
0x60: {  	[tilespmem:s6], [sflag:$0x1] =	stream.indirect.gather [hbm4b:s12+s6], $0x40, s2, s6, $0xb8;
	[tilespmem:$0x19E60] =	vst v63  }
0x61: {  	_ =	swait.ge [sflag:s7], $0x19000  }
0x62: {  	[sflag:s7] =	ssyncset.done $0x0  }
0x63: {  	[sflag:s7] =	ssyncadd.s32 $0xFFFE7000  }
0x64: {  	[hbm4b:s13+s2] =	stream.linear.scatter [tilespmem:s6], [sflag:$0x2], $0x19000, $0x38;
	[tilespmem:$0x19E60] =	vst v63  }
0x65: {  	_ =	swait.ge [sflag:s3], $0x19000  }
0x66: {  	[sflag:s3] =	ssyncset.done $0x0  }
0x67: {  	[sflag:s3] =	ssyncadd.s32 $0xFFFE7000  }
0x68: {  	[tilespmem:s15], [sflag:$0x2] =	stream.linear.gather [hbm4b:s14+s2], $0x20, $0x38;
	[tilespmem:$0x19E60] =	vst v63  }
0x69: {  	_ =	swait.ge [sflag:s3], $0x20  }
0x6a: {  	[sflag:s3] =	ssyncset.done $0x0  }
0x6b: {  	[sflag:s3] =	ssyncadd.s32 $0xFFFFFFE0  }
0x6c: {  	[tilespmem:s17], [sflag:$0x1] =	stream.indirect.gather [hbm4b:s5+s16], $0x40, s15, s16, $0xb8;
	[tilespmem:$0x19E60] =	vst v63  }
0x6d: {  	_ =	swait.ge [sflag:s7], $0x800  }
0x6e: {  	[sflag:s7] =	ssyncset.done $0x0  }
0x6f: {  	[sflag:s7] =	ssyncadd.s32 $0xFFFFF800  }
0x70: {  	[hbm4b:s18+s2] =	stream.linear.scatter [tilespmem:s17], [sflag:$0x2], $0x800, $0x38;
	[tilespmem:$0x19E60] =	vst v63  }
0x71: {  	_ =	swait.ge [sflag:s3], $0x800  }
0x72: {  	[sflag:s3] =	ssyncset.done $0x0  }
0x73: {  	[sflag:s3] =	ssyncadd.s32 $0xFFFFF800  }
0x74: {  	[tilespmem:s15], [sflag:$0x2] =	stream.linear.gather [hbm4b:s19+s2], $0x20, $0x38;
	[tilespmem:$0x19E60] =	vst v63  }
0x75: {  	_ =	swait.ge [sflag:s3], $0x20  }
0x76: {  	[sflag:s3] =	ssyncset.done $0x0  }
0x77: {  	[sflag:s3] =	ssyncadd.s32 $0xFFFFFFE0  }
0x78: {  	[tilespmem:s17], [sflag:$0x1] =	stream.indirect.gather [hbm4b:s12+s16], $0x40, s15, s16, $0xb8;
	[tilespmem:$0x19E60] =	vst v63  }
0x79: {  	_ =	swait.ge [sflag:s7], $0x800  }
.Ltmp1:
0x7a: {  	[sflag:s7] =	ssyncset.done $0x0;
	(pc) =	sbr.rel @p0 .LBB2_1-.Ltmp1, $4  }
0x7b: {  	[sflag:s7] =	ssyncadd.s32 $0xFFFFF800  }
0x7c: {  	[hbm4b:s20+s2] =	stream.linear.scatter [tilespmem:s17], [sflag:$0x2], $0x800, $0x38;
	[tilespmem:$0x19E60] =	vst v63  }
0x7d: {  	_ =	swait.ge [sflag:s3], $0x800  }
0x7e: {  	[sflag:s3] =	ssyncset.done $0x0  }
.LBB2_2:
0x7f: {  	[sflag:s3] =	ssyncadd.s32 $0xFFFFF800  }
0x80: {  	_ =	sfence.sel $0x180000  }
0x81: {  	[bflag:$0x0] =	sbarrier.arrive $0xFFFF  }
0x82: {  	p0 =	sne.s32 s0, $0x0;
	_ =	strace $0x90000047  }
0x83: {  	s0 =	sadd.s32 @!p0 $0x100000, s1;
	[bflag:$0x2] =	sbarrier.arrive $0xFFFF  }
0x84: {  	[sflag:s0] =	ssyncadd.tile.s32 @!p0 $0x1;
	_ =	shalt  }
.Lfunc_end2:
_tile_overlayer_lowered:
.L_overlay_start_2:
0x85: {  	(tag) =	ssettag $0x2  }
0x86: {  	s0 =	rddreg [dreg:$0x0];
	s2 =	stileid.u32  }
0x87: {  	s1 =	rddreg [dreg:$0x1];
	p0 =	sne.s32 s2, $0x0  }
0x88: {  	s3 =	rddreg [dreg:$0x2];
	[bflag:$0x3] =	sbarrier.arrive $0xFFFF;
	s2 =	simm.s32 @!p0 $0x1C02  }
0x89: {  	[timem:s3], [sflag:s2] =	dma.local @!p0 [hbm:s0], s1  }
0x8a: {  	s0 =	simm.s32 @!p0 $0x2  }
0x8b: {  	_ =	swait.ge @!p0 [sflag:s0], s1  }
0x8c: {  	s1 =	ssub.s32 @!p0 $0x0, s1;
	[sflag:s0] =	ssyncset.done @!p0 $0x0  }
0x8d: {  	[sflag:s0] =	ssyncadd.s32 @!p0 s1  }
0x8e: {  	[bflag:$0x3] =	sbarrier.arrive $0xFFFF  }
0x8f: {  	_ =	shalt  }

</sc_bundles>
